<compile_context>
chip_gen: v7x
topology: tpu7x:2x2x1
jax: 0.10.2.dev20260603
libtpu: 0.0.44.dev20260713+nightly
codegen_flags: <defaults>
</compile_context>

<pallas_src>
import functools

import jax
import jax.numpy as jnp
from jax import lax
from jax.experimental import pallas as pl
from jax.experimental.pallas import tpu as pltpu
from jax.experimental.pallas import tpu_sc as plsc

NB = 4
NM = 2500
NE = 500
DM = 120
DE = 96
HID = 64
NPASS = 3
NOUT = 5
EM = 80000
EE = 10000

N = NB * NM
NSRC = NB * NE
NP = 10016
ROWL = 128
NC, NSUB = 2, 16
NW = NC * NSUB

E1 = NB * EM
R1 = 2560
E1P = R1 * ROWL
E2 = NB * EE
R2 = 320
E2P = R2 * ROWL
EXTRA = 128


@functools.lru_cache(maxsize=1)
def _mesh():
    return plsc.VectorSubcoreMesh(core_axis_name="c", subcore_axis_name="s")


_SC_PARAMS = pltpu.CompilerParams(use_tc_tiling_on_sc=False)



@functools.partial(jax.jit, static_argnames=("rows", "rpw"))
def _sc_gather_add(a_tab, c_tab, dst2d, src2d, *, rows, rpw):

    @functools.partial(
        pl.kernel,
        mesh=_mesh(),
        compiler_params=_SC_PARAMS,
        out_type=jax.ShapeDtypeStruct((rows * ROWL * HID // 128, 128),
                                      jnp.float32),
        scratch_types=[
            pltpu.VMEM((rpw, ROWL), jnp.int32),
            pltpu.VMEM((rpw, ROWL), jnp.int32),
            pltpu.VMEM((ROWL, HID), jnp.float32),
            pltpu.VMEM((ROWL, HID), jnp.float32),
            pltpu.VMEM((ROWL * HID // 128, 128), jnp.float32),
            pltpu.VMEM((ROWL, HID), jnp.float32),
            pltpu.VMEM((ROWL, HID), jnp.float32),
            pltpu.VMEM((ROWL * HID // 128, 128), jnp.float32),
            pltpu.SemaphoreType.DMA,
            pltpu.SemaphoreType.DMA,
        ],
    )
    def k(a_hbm, c_hbm, dst_hbm, src_hbm, out_hbm,
          idxd, idxs, a0, c0, o0, a1, c1, o1, sem0, sem1):
        wid = lax.axis_index("s") * NC + lax.axis_index("c")
        base = wid * rpw
        orow = ROWL * HID // 128
        pltpu.sync_copy(dst_hbm.at[pl.ds(base, rpw)], idxd)
        pltpu.sync_copy(src_hbm.at[pl.ds(base, rpw)], idxs)
        bufs = ((a0, c0, o0, sem0), (a1, c1, o1, sem1))

        def issue(j, b):
            a_b, c_b, _, sem = bufs[b]
            pltpu.async_copy(a_hbm.at[idxd.at[j]], a_b, sem)
            pltpu.async_copy(c_hbm.at[idxs.at[j]], c_b, sem)

        def finish(j, b):
            a_b, c_b, o_b, sem = bufs[b]
            pltpu.make_async_copy(a_hbm.at[idxd.at[j]], a_b, sem).wait()
            pltpu.make_async_copy(c_hbm.at[idxs.at[j]], c_b, sem).wait()

            @pl.loop(0, ROWL // 2, unroll=4)
            def _add(io):
                for half in range(2):
                    for cc in range(HID // 16):
                        sl = slice(cc * 16, (cc + 1) * 16)
                        dsl = slice(half * HID + cc * 16,
                                    half * HID + (cc + 1) * 16)
                        o_b[io, dsl] = (a_b[2 * io + half, sl]
                                        + c_b[2 * io + half, sl])

            pltpu.sync_copy(o_b, out_hbm.at[pl.ds((base + j) * orow, orow)])

        issue(0, 0)

        @pl.loop(0, rpw, step=2)
        def _row(j):
            issue(j + 1, 1)
            finish(j, 0)

            @pl.when(j + 2 < rpw)
            def _():
                issue(j + 2, 0)

            finish(j + 1, 1)

    return k(a_tab, c_tab, dst2d, src2d)


@functools.partial(jax.jit, static_argnames=("rows", "rpw", "with_cnt"))
def _sc_scatter_sum(m, dst2d, zeros_np, zeros_cnt, ones_row, *, rows, rpw,
                    with_cnt):
    out_type = [jax.ShapeDtypeStruct((NC, NP, HID), jnp.float32)]
    orow = ROWL * HID // 128
    scratch = [
        pltpu.VMEM((rpw, ROWL), jnp.int32),
        pltpu.VMEM((orow, 128), jnp.float32),
        pltpu.VMEM((orow, 128), jnp.float32),
        pltpu.VMEM((ROWL, HID), jnp.float32),
        pltpu.VMEM_SHARED((NP, HID), jnp.float32),
        pltpu.SemaphoreType.DMA,
        pltpu.SemaphoreType.DMA,
    ]
    if with_cnt:
        out_type.append(jax.ShapeDtypeStruct((NC, NP, 16), jnp.float32))
        scratch += [pltpu.VMEM((ROWL, 16), jnp.float32),
                    pltpu.VMEM_SHARED((NP, 16), jnp.float32)]

    @functools.partial(
        pl.kernel,
        mesh=_mesh(),
        compiler_params=_SC_PARAMS,
        out_type=tuple(out_type) if with_cnt else out_type[0],
        scratch_types=scratch,
    )
    def k(*refs):
        if with_cnt:
            (m_hbm, dst_hbm, z_hbm, zc_hbm, ones_hbm, out_hbm, cnt_hbm,
             idxd, b0, b1, sbuf, acc, sem0, sem1, ones_v, acc16) = refs
        else:
            (m_hbm, dst_hbm, z_hbm, zc_hbm, ones_hbm, out_hbm,
             idxd, b0, b1, sbuf, acc, sem0, sem1) = refs
        cid = lax.axis_index("c")
        sid = lax.axis_index("s")
        wid = sid * NC + cid
        base = wid * rpw
        rps = NP // NSUB
        sl0 = sid * rps

        pltpu.sync_copy(dst_hbm.at[pl.ds(base, rpw)], idxd)
        pltpu.sync_copy(z_hbm.at[pl.ds(sl0, rps)], acc.at[pl.ds(sl0, rps)])
        if with_cnt:
            pltpu.sync_copy(ones_hbm, ones_v)
            pltpu.sync_copy(zc_hbm.at[pl.ds(sl0, rps)],
                            acc16.at[pl.ds(sl0, rps)])
        plsc.subcore_barrier()

        bufs = ((b0, sem0), (b1, sem1))

        def issue(j, b):
            buf, sem = bufs[b]
            pltpu.async_copy(m_hbm.at[pl.ds((base + j) * orow, orow)], buf,
                             sem)

        def finish(j, b):
            buf, sem = bufs[b]
            pltpu.make_async_copy(
                m_hbm.at[pl.ds((base + j) * orow, orow)], buf, sem).wait()

            @pl.loop(0, ROWL // 2, unroll=4)
            def _mv(io):
                for half in range(2):
                    for cc in range(HID // 16):
                        ssl = slice(half * HID + cc * 16,
                                    half * HID + (cc + 1) * 16)
                        sbuf[2 * io + half, cc * 16:(cc + 1) * 16] = (
                            buf[io, ssl])

            pltpu.sync_copy(sbuf, acc.at[idxd.at[j]], add=True)
            if with_cnt:
                pltpu.sync_copy(ones_v, acc16.at[idxd.at[j]], add=True)

        issue(0, 0)

        @pl.loop(0, rpw, step=2)
        def _row(j):
            issue(j + 1, 1)
            finish(j, 0)

            @pl.when(j + 2 < rpw)
            def _():
                issue(j + 2, 0)

            finish(j + 1, 1)

        plsc.subcore_barrier()
        pltpu.sync_copy(acc.at[pl.ds(sl0, rps)],
                        out_hbm.at[cid, pl.ds(sl0, rps)])
        if with_cnt:
            pltpu.sync_copy(acc16.at[pl.ds(sl0, rps)],
                            cnt_hbm.at[cid, pl.ds(sl0, rps)])

    return k(m, dst2d, zeros_np, zeros_cnt, ones_row)



_BN = 2000


def _w(shape):
    return pl.BlockSpec(shape, lambda i: tuple(0 for _ in shape))


def _row_spec(d):
    return pl.BlockSpec((_BN, d), lambda i: (i, 0))


def _s_spec(d):
    return pl.BlockSpec((1, _BN, d), lambda i: (0, i, 0))


def _s1_spec(d):
    return pl.BlockSpec((1, _BN, d), lambda i: (1, i, 0))


def _agg(s_ref, t_ref, c0_ref, c1_ref):
    cnt = jnp.maximum(c0_ref[0][:, :1] + c1_ref[0][:, :1], 1.0)
    return (s_ref[0] + t_ref[0]) / cnt


def _tc_embed_proj(u, pos, ew1u, ew1p, eb1, ew2, eb2, w1x, w1p, mb1):

    def body(u_ref, p_ref, a1, a2, a3, a4, a5, wx, wp, bm, x_ref, a_ref):
        z = jnp.tanh(u_ref[...] @ a1[...] + p_ref[...] @ a2[...] + a3[...])
        x = jnp.tanh(z @ a4[...] + a5[...])
        x_ref[...] = x
        a_ref[...] = x @ wx[...] + p_ref[...] @ wp[...] + bm[...]

    return pl.pallas_call(
        body,
        grid=(N // _BN,),
        in_specs=[_row_spec(DM), _row_spec(2), _w((DM, HID)), _w((2, HID)),
                  _w((1, HID)), _w((HID, HID)), _w((1, HID)),
                  _w((HID, HID)), _w((2, HID)), _w((1, HID))],
        out_specs=[_row_spec(HID), _row_spec(HID)],
        out_shape=[jax.ShapeDtypeStruct((N, HID), jnp.float32),
                   jax.ShapeDtypeStruct((NP, HID), jnp.float32)],
    )(u, pos, ew1u, ew1p, eb1.reshape(1, HID), ew2, eb2.reshape(1, HID),
      w1x, w1p, mb1.reshape(1, HID))


def _tc_cex(exf, ex_pos, we1, wp1, we2, wp2):
    bn = 2000

    def body(e_ref, p_ref, w1, p1, w2, p2, c1_ref, c2_ref):
        c1_ref[...] = e_ref[...] @ w1[...] - p_ref[...] @ p1[...]
        c2_ref[...] = e_ref[...] @ w2[...] - p_ref[...] @ p2[...]

    return pl.pallas_call(
        body,
        grid=(NSRC // bn,),
        in_specs=[pl.BlockSpec((bn, DE), lambda i: (i, 0)),
                  pl.BlockSpec((bn, 2), lambda i: (i, 0)),
                  _w((DE, HID)), _w((2, HID)), _w((DE, HID)), _w((2, HID))],
        out_specs=[pl.BlockSpec((bn, HID), lambda i: (i, 0)),
                   pl.BlockSpec((bn, HID), lambda i: (i, 0))],
        out_shape=[jax.ShapeDtypeStruct((NSRC, HID), jnp.float32),
                   jax.ShapeDtypeStruct((NSRC, HID), jnp.float32)],
    )(exf, ex_pos, we1, wp1, we2, wp2)


def _tc_edge_mlp(pre, w2, b2):
    e2 = pre.shape[0]
    bk = 1024

    def body(p_ref, w2_ref, b2_ref, o_ref):
        blk = p_ref[...]
        w = w2_ref[...]
        b = b2_ref[...]
        hl = jnp.tanh(blk[:, :HID])
        hr = jnp.tanh(blk[:, HID:])
        o_ref[:, :HID] = jnp.tanh(hl @ w + b)
        o_ref[:, HID:] = jnp.tanh(hr @ w + b)

    return pl.pallas_call(
        body,
        grid=(e2 // bk,),
        in_specs=[
            pl.BlockSpec((bk, 128), lambda i: (i, 0)),
            _w((HID, HID)),
            _w((1, HID)),
        ],
        out_specs=pl.BlockSpec((bk, 128), lambda i: (i, 0)),
        out_shape=jax.ShapeDtypeStruct((e2, 128), jnp.float32),
    )(pre, w2, b2.reshape(1, HID))


def _upd_ex_core(x_ref, s_ref, t_ref, c0_ref, c1_ref, w1x, w1a, b1, w2, b2):
    agg = _agg(s_ref, t_ref, c0_ref, c1_ref)
    h = jnp.tanh(x_ref[...] @ w1x[...] + agg @ w1a[...] + b1[...])
    return x_ref[...] + h @ w2[...] + b2[...]


def _upd_in_core(x_ref, s_ref, t_ref, c0_ref, c1_ref, u_ref,
                 w1x, w1a, w1u, b1, w2, b2):
    agg = _agg(s_ref, t_ref, c0_ref, c1_ref)
    h = jnp.tanh(x_ref[...] @ w1x[...] + agg @ w1a[...]
                 + u_ref[...] @ w1u[...] + b1[...])
    return x_ref[...] + h @ w2[...] + b2[...]


def _tc_upd_ex_proj2(x, s, cnt, pos, w1x, w1a, b1, w2, b2, nx, nc, npp, nb):

    def body(x_ref, s_ref, t_ref, c0_ref, c1_ref, p_ref,
             a1, a2, a3, a4, a5, wx, wc, wp, bm, x_out, a_out, c_out):
        xn = _upd_ex_core(x_ref, s_ref, t_ref, c0_ref, c1_ref,
                          a1, a2, a3, a4, a5)
        x_out[...] = xn
        pw = p_ref[...] @ wp[...]
        a_out[...] = xn @ wx[...] + pw + bm[...]
        c_out[...] = xn @ wc[...] - pw

    return pl.pallas_call(
        body,
        grid=(N // _BN,),
        in_specs=[_row_spec(HID), _s_spec(HID), _s1_spec(HID), _s_spec(16),
                  _s1_spec(16), _row_spec(2),
                  _w((HID, HID)), _w((HID, HID)), _w((1, HID)),
                  _w((HID, HID)), _w((1, HID)),
                  _w((HID, HID)), _w((HID, HID)), _w((2, HID)), _w((1, HID))],
        out_specs=[_row_spec(HID), _row_spec(HID), _row_spec(HID)],
        out_shape=[jax.ShapeDtypeStruct((N, HID), jnp.float32),
                   jax.ShapeDtypeStruct((NP, HID), jnp.float32),
                   jax.ShapeDtypeStruct((N, HID), jnp.float32)],
    )(x, s, s, cnt, cnt, pos, w1x, w1a, b1.reshape(1, HID), w2,
      b2.reshape(1, HID), nx, nc, npp, nb.reshape(1, HID))


def _tc_upd_in_proj2(x, s, cnt, u, pos, w1x, w1a, w1u, b1, w2, b2,
                     nx, nc, npp, nb):

    def body(x_ref, s_ref, t_ref, c0_ref, c1_ref, u_ref, p_ref,
             a1, a2, a3, a4, a5, a6, wx, wc, wp, bm, x_out, a_out, c_out):
        xn = _upd_in_core(x_ref, s_ref, t_ref, c0_ref, c1_ref, u_ref,
                          a1, a2, a3, a4, a5, a6)
        x_out[...] = xn
        pw = p_ref[...] @ wp[...]
        a_out[...] = xn @ wx[...] + pw + bm[...]
        c_out[...] = xn @ wc[...] - pw

    return pl.pallas_call(
        body,
        grid=(N // _BN,),
        in_specs=[_row_spec(HID), _s_spec(HID), _s1_spec(HID), _s_spec(16),
                  _s1_spec(16), _row_spec(DM), _row_spec(2),
                  _w((HID, HID)), _w((HID, HID)), _w((DM, HID)), _w((1, HID)),
                  _w((HID, HID)), _w((1, HID)),
                  _w((HID, HID)), _w((HID, HID)), _w((2, HID)), _w((1, HID))],
        out_specs=[_row_spec(HID), _row_spec(HID), _row_spec(HID)],
        out_shape=[jax.ShapeDtypeStruct((N, HID), jnp.float32),
                   jax.ShapeDtypeStruct((NP, HID), jnp.float32),
                   jax.ShapeDtypeStruct((N, HID), jnp.float32)],
    )(x, s, s, cnt, cnt, u, pos, w1x, w1a, w1u, b1.reshape(1, HID), w2,
      b2.reshape(1, HID), nx, nc, npp, nb.reshape(1, HID))


def _tc_upd_in_projA(x, s, cnt, u, pos, w1x, w1a, w1u, b1, w2, b2,
                     nx, npp, nb):

    def body(x_ref, s_ref, t_ref, c0_ref, c1_ref, u_ref, p_ref,
             a1, a2, a3, a4, a5, a6, wx, wp, bm, x_out, a_out):
        xn = _upd_in_core(x_ref, s_ref, t_ref, c0_ref, c1_ref, u_ref,
                          a1, a2, a3, a4, a5, a6)
        x_out[...] = xn
        a_out[...] = xn @ wx[...] + p_ref[...] @ wp[...] + bm[...]

    return pl.pallas_call(
        body,
        grid=(N // _BN,),
        in_specs=[_row_spec(HID), _s_spec(HID), _s1_spec(HID), _s_spec(16),
                  _s1_spec(16), _row_spec(DM), _row_spec(2),
                  _w((HID, HID)), _w((HID, HID)), _w((DM, HID)), _w((1, HID)),
                  _w((HID, HID)), _w((1, HID)),
                  _w((HID, HID)), _w((2, HID)), _w((1, HID))],
        out_specs=[_row_spec(HID), _row_spec(HID)],
        out_shape=[jax.ShapeDtypeStruct((N, HID), jnp.float32),
                   jax.ShapeDtypeStruct((NP, HID), jnp.float32)],
    )(x, s, s, cnt, cnt, u, pos, w1x, w1a, w1u, b1.reshape(1, HID), w2,
      b2.reshape(1, HID), nx, npp, nb.reshape(1, HID))


def _tc_upd_ex_out(x, s, cnt, w1x, w1a, b1, w2, b2, ow1, ob1, ow2, ob2):

    def body(x_ref, s_ref, t_ref, c0_ref, c1_ref,
             a1, a2, a3, a4, a5, o1, o2, o3, o4, o_ref):
        xn = _upd_ex_core(x_ref, s_ref, t_ref, c0_ref, c1_ref,
                          a1, a2, a3, a4, a5)
        h = jnp.tanh(xn @ o1[...] + o2[...])
        o_ref[...] = h @ o3[...] + o4[...]

    return pl.pallas_call(
        body,
        grid=(N // _BN,),
        in_specs=[_row_spec(HID), _s_spec(HID), _s1_spec(HID), _s_spec(16),
                  _s1_spec(16),
                  _w((HID, HID)), _w((HID, HID)), _w((1, HID)),
                  _w((HID, HID)), _w((1, HID)),
                  _w((HID, HID)), _w((1, HID)), _w((HID, NOUT)),
                  _w((1, NOUT))],
        out_specs=pl.BlockSpec((_BN, NOUT), lambda i: (i, 0)),
        out_shape=jax.ShapeDtypeStruct((N, NOUT), jnp.float32),
    )(x, s, s, cnt, cnt, w1x, w1a, b1.reshape(1, HID), w2,
      b2.reshape(1, HID), ow1, ob1.reshape(1, HID), ow2,
      ob2.reshape(1, NOUT))



def _pad_edges(src, dst, epad):
    e = src.shape[0]
    tot = epad + EXTRA * ROWL
    src_p = jnp.concatenate(
        [src.astype(jnp.int32), jnp.zeros((tot - e,), jnp.int32)])
    dst_p = jnp.concatenate(
        [dst.astype(jnp.int32), jnp.full((epad - e,), N, jnp.int32),
         jnp.zeros((EXTRA * ROWL,), jnp.int32)])
    return (src_p.reshape(tot // ROWL, ROWL), dst_p.reshape(tot // ROWL, ROWL))


def kernel(madis_x, madis_lon, madis_lat, edge_index, ex_lon, ex_lat, ex_x,
           edge_index_e2m, params):
    p = params
    u = madis_x.reshape(N, DM).astype(jnp.float32)
    in_pos = jnp.concatenate([madis_lon, madis_lat], axis=2).reshape(N, 2)
    exf = ex_x.reshape(NSRC, DE).astype(jnp.float32)
    ex_pos = jnp.concatenate([ex_lon, ex_lat], axis=2).reshape(NSRC, 2)

    ei = jnp.transpose(
        edge_index + (jnp.arange(NB) * NM)[:, None, None], (1, 0, 2)
    ).reshape(2, -1)
    shift = jnp.stack([jnp.arange(NB) * NE, jnp.arange(NB) * NM],
                      axis=1)[:, :, None]
    eie = jnp.transpose(edge_index_e2m + shift, (1, 0, 2)).reshape(2, -1)

    src1_2d, dst1_2d = _pad_edges(ei[0], ei[1], E1P)
    src2_2d, dst2_2d = _pad_edges(eie[0], eie[1], E2P)

    zeros_np = jnp.zeros((NP, HID), jnp.float32)
    zeros_cnt = jnp.zeros((NP, 16), jnp.float32)
    ones_row = jnp.ones((ROWL, 16), jnp.float32)

    cnts = {}

    def message(a_tab, c_tab, dst2d, src2d, rows, w2, b2, ckey):
        rpw = rows // NW
        pre = _sc_gather_add(a_tab, c_tab, dst2d, src2d, rows=rows, rpw=rpw)
        m = _tc_edge_mlp(pre, w2, b2)
        res = _sc_scatter_sum(m, dst2d, zeros_np, zeros_cnt, ones_row,
                              rows=rows, rpw=rpw, with_cnt=ckey not in cnts)
        if ckey not in cnts:
            s, cnts[ckey] = res
        else:
            s = res
        return s, cnts[ckey]

    w1 = p['ex1_mW1']
    x, a_tab = _tc_embed_proj(u, in_pos, p['emb_W1'][:DM], p['emb_W1'][DM:],
                              p['emb_b1'], p['emb_W2'], p['emb_b2'],
                              w1[:HID], w1[HID + DE:], p['ex1_mb1'])
    w1b = p['ex2_mW1']
    cex1, cex2 = _tc_cex(exf, ex_pos, w1[HID:HID + DE], w1[HID + DE:],
                         w1b[HID:HID + DE], w1b[HID + DE:])

    s, cnt = message(a_tab, cex1, dst2_2d, src2_2d, R2,
                     p['ex1_mW2'], p['ex1_mb2'], 'e2m')
    w1 = p['in0_mW1']
    uw1 = p['ex1_uW1']
    x, a_tab, c_tab = _tc_upd_ex_proj2(
        x, s, cnt, in_pos, uw1[:HID], uw1[HID:], p['ex1_ub1'],
        p['ex1_uW2'], p['ex1_ub2'],
        w1[:HID], w1[HID:2 * HID], w1[2 * HID:], p['in0_mb1'])

    for i in range(NPASS):
        pfx = 'in%d' % i
        s, cnt = message(a_tab, c_tab, dst1_2d, src1_2d, R1,
                         p[pfx + '_mW2'], p[pfx + '_mb2'], 'm2m')
        uw1 = p[pfx + '_uW1']
        if i < NPASS - 1:
            w1 = p['in%d_mW1' % (i + 1)]
            x, a_tab, c_tab = _tc_upd_in_proj2(
                x, s, cnt, u, in_pos, uw1[:HID], uw1[HID:2 * HID],
                uw1[2 * HID:], p[pfx + '_ub1'], p[pfx + '_uW2'],
                p[pfx + '_ub2'],
                w1[:HID], w1[HID:2 * HID], w1[2 * HID:],
                p['in%d_mb1' % (i + 1)])
        else:
            w1 = p['ex2_mW1']
            x, a_tab = _tc_upd_in_projA(
                x, s, cnt, u, in_pos, uw1[:HID], uw1[HID:2 * HID],
                uw1[2 * HID:], p[pfx + '_ub1'], p[pfx + '_uW2'],
                p[pfx + '_ub2'],
                w1[:HID], w1[HID + DE:], p['ex2_mb1'])

    s, cnt = message(a_tab, cex2, dst2_2d, src2_2d, R2,
                     p['ex2_mW2'], p['ex2_mb2'], 'e2m')
    uw1 = p['ex2_uW1']
    out = _tc_upd_ex_out(x, s, cnt, uw1[:HID], uw1[HID:], p['ex2_ub1'],
                         p['ex2_uW2'], p['ex2_ub2'],
                         p['out_W1'], p['out_b1'], p['out_W2'], p['out_b2'])
    return out.reshape(NB, NM, NOUT)

# --- scband reference (transcript-rebuilt; emitter-appended) ---
"""Pipeline reference for scband-mpnn-69449621176871 (READ-ONLY COPY).

The authoritative reference and input builder live on the scoring server;
editing this copy changes nothing except your own understanding.
"""

import jax, jax.numpy as jnp
import numpy as np

NB=4; NM=2500; NE=500; NH=24; FM=5; FE=4
DM=NH*FM; DE=NH*FE; HID=64; NPASS=3; NOUT=5; EM=80000; EE=10000

def _dense(k,i,o):
    return jax.random.normal(k,(i,o),jnp.float32)*0.05

def _mlp2t(x,W1,b1,W2,b2):
    return jnp.tanh(jnp.tanh(x@W1+b1)@W2+b2)

def _scatter_mean(m,dst,n):
    s=jax.ops.segment_sum(m,dst,num_segments=n)
    c=jax.ops.segment_sum(jnp.ones((m.shape[0],1),m.dtype),dst,num_segments=n)
    return s/jnp.maximum(c,1.0)

def setup_inputs():
    key=jax.random.key(0)
    ks=jax.random.split(key,40)
    inp={}
    inp['madis_x']=jax.random.normal(ks[0],(NB,NM,NH,FM),jnp.float32)
    inp['madis_lon']=jax.random.uniform(ks[1],(NB,NM,1),dtype=jnp.float32)
    inp['madis_lat']=jax.random.uniform(ks[2],(NB,NM,1),dtype=jnp.float32)
    inp['edge_index']=jax.random.randint(ks[3],(NB,2,EM),0,NM)
    inp['ex_lon']=jax.random.uniform(ks[4],(NB,NE,1),dtype=jnp.float32)
    inp['ex_lat']=jax.random.uniform(ks[5],(NB,NE,1),dtype=jnp.float32)
    inp['ex_x']=jax.random.normal(ks[6],(NB,NE,NH,FE),jnp.float32)
    inp['edge_index_e2m']=jax.random.randint(ks[7],(NB,2,EE),0,NE)
    p={}
    p['emb_W1']=_dense(ks[8],DM+2,HID); p['emb_b1']=jnp.zeros((HID,),jnp.float32)
    p['emb_W2']=_dense(ks[9],HID,HID); p['emb_b2']=jnp.zeros((HID,),jnp.float32)
    p['out_W1']=_dense(ks[10],HID,HID); p['out_b1']=jnp.zeros((HID,),jnp.float32)
    p['out_W2']=_dense(ks[11],HID,NOUT); p['out_b2']=jnp.zeros((NOUT,),jnp.float32)
    kb=12
    for pfx in ['ex1','ex2']:
        p[pfx+'_mW1']=_dense(ks[kb],HID+DE+2,HID); p[pfx+'_mb1']=jnp.zeros((HID,),jnp.float32)
        p[pfx+'_mW2']=_dense(ks[kb+1],HID,HID); p[pfx+'_mb2']=jnp.zeros((HID,),jnp.float32)
        p[pfx+'_uW1']=_dense(ks[kb+2],2*HID,HID); p[pfx+'_ub1']=jnp.zeros((HID,),jnp.float32)
        p[pfx+'_uW2']=_dense(ks[kb+3],HID,HID); p[pfx+'_ub2']=jnp.zeros((HID,),jnp.float32)
        kb+=4
    for i in range(NPASS):
        pfx='in%d'%i
        p[pfx+'_mW1']=_dense(ks[kb],2*HID+2,HID); p[pfx+'_mb1']=jnp.zeros((HID,),jnp.float32)
        p[pfx+'_mW2']=_dense(ks[kb+1],HID,HID); p[pfx+'_mb2']=jnp.zeros((HID,),jnp.float32)
        p[pfx+'_uW1']=_dense(ks[kb+2],2*HID+DM,HID); p[pfx+'_ub1']=jnp.zeros((HID,),jnp.float32)
        p[pfx+'_uW2']=_dense(ks[kb+3],HID,HID); p[pfx+'_ub2']=jnp.zeros((HID,),jnp.float32)
        kb+=4
    inp['params']=p
    return inp

def _forward(madis_x,madis_lon,madis_lat,ex_lon,ex_lat,ex_x,p,edge_index,edge_index_e2m):
    B,Nm=madis_x.shape[0],madis_x.shape[1]
    Ne=ex_x.shape[1]
    u=madis_x.reshape(B*Nm,-1)
    in_pos=jnp.concatenate([madis_lon,madis_lat],axis=2).reshape(B*Nm,2)
    ei=jnp.transpose(edge_index+(jnp.arange(B)*Nm)[:,None,None],(1,0,2)).reshape(2,-1)
    exf=ex_x.reshape(B*Ne,-1)
    ex_pos=jnp.concatenate([ex_lon,ex_lat],axis=2).reshape(B*Ne,2)
    shift=jnp.stack([jnp.arange(B)*Ne,jnp.arange(B)*Nm],axis=1)[:,:,None]
    eie=jnp.transpose(edge_index_e2m+shift,(1,0,2)).reshape(2,-1)
    in_x=_mlp2t(jnp.concatenate([u,in_pos],axis=1),p['emb_W1'],p['emb_b1'],p['emb_W2'],p['emb_b2'])
    def ext(pfx,x):
        src,dst=eie[0],eie[1]
        mi=jnp.concatenate([x[dst],exf[src],in_pos[dst]-ex_pos[src]],axis=1)
        m=_mlp2t(mi,p[pfx+'_mW1'],p[pfx+'_mb1'],p[pfx+'_mW2'],p[pfx+'_mb2'])
        agg=_scatter_mean(m,dst,B*Nm)
        h=jnp.tanh(jnp.concatenate([x,agg],axis=1)@p[pfx+'_uW1']+p[pfx+'_ub1'])
        return x+(h@p[pfx+'_uW2']+p[pfx+'_ub2'])
    in_x=ext('ex1',in_x)
    for i in range(NPASS):
        pfx='in%d'%i
        src,dst=ei[0],ei[1]
        mi=jnp.concatenate([in_x[dst],in_x[src],in_pos[dst]-in_pos[src]],axis=1)
        m=_mlp2t(mi,p[pfx+'_mW1'],p[pfx+'_mb1'],p[pfx+'_mW2'],p[pfx+'_mb2'])
        agg=_scatter_mean(m,dst,B*Nm)
        h=jnp.tanh(jnp.concatenate([in_x,agg,u],axis=1)@p[pfx+'_uW1']+p[pfx+'_ub1'])
        in_x=in_x+(h@p[pfx+'_uW2']+p[pfx+'_ub2'])
    in_x=ext('ex2',in_x)
    out=jnp.tanh(in_x@p['out_W1']+p['out_b1'])@p['out_W2']+p['out_b2']
    return out.reshape(B,Nm,NOUT)

def reference(madis_x,madis_lon,madis_lat,edge_index,ex_lon,ex_lat,ex_x,edge_index_e2m,params):
    return _forward(madis_x,madis_lon,madis_lat,ex_lon,ex_lat,ex_x,params,edge_index,edge_index_e2m)

if __name__ == "__main__":
    import jax
    _d = setup_inputs()
    print(jax.jit(kernel)(*tuple(_d.values())))

</pallas_src>

<mosaic_0001>
#map = affine_map<(d0, d1) -> (0, 0)>
module attributes {stable_mosaic.version = 14 : i64} {
  func.func @k(%arg0: i32, %arg1: i32, %arg2: memref<10016x64xf32, #tpu.memory_space<hbm>>, %arg3: memref<2000x64xf32, #tpu.memory_space<hbm>>, %arg4: memref<448x128xi32, #tpu.memory_space<hbm>>, %arg5: memref<448x128xi32, #tpu.memory_space<hbm>>, %arg6: memref<20480x128xf32, #tpu.memory_space<hbm>>, %arg7: memref<10x128xi32, #tpu.memory_space<vmem>>, %arg8: memref<10x128xi32, #tpu.memory_space<vmem>>, %arg9: memref<128x64xf32, #tpu.memory_space<vmem>>, %arg10: memref<128x64xf32, #tpu.memory_space<vmem>>, %arg11: memref<64x128xf32, #tpu.memory_space<vmem>>, %arg12: memref<128x64xf32, #tpu.memory_space<vmem>>, %arg13: memref<128x64xf32, #tpu.memory_space<vmem>>, %arg14: memref<64x128xf32, #tpu.memory_space<vmem>>, %arg15: memref<!tpu.dma_semaphore, #tpu.memory_space<semaphore_mem>>, %arg16: memref<!tpu.dma_semaphore, #tpu.memory_space<semaphore_mem>>) attributes {dimension_semantics = [#tpu.dimension_semantics<core_parallel>, #tpu.dimension_semantics<subcore_parallel>], iteration_bounds = array<i64: 2, 16>, scalar_prefetch = 0 : i64, scratch_operands = 10 : i64, tpu.core_type = #tpu.core_type<sc_vector_subcore>, window_params = [{transform_indices = #map}, {transform_indices = #map}, {transform_indices = #map}, {transform_indices = #map}, {transform_indices = #map}]} {
    %mul3A = arith.constant 2 : i32
    %mul3A_0 = arith.muli %arg1, %mul3A : i32
    %add3A = arith.addi %mul3A_0, %arg0 : i32
    %mul3A_1 = arith.constant 10 : i32
    %mul3A_2 = arith.muli %add3A, %mul3A_1 : i32
    "tpu.region"() ({
      %run_scoped3A = tpu.sem_alloc : memref<!tpu.dma_semaphore, #tpu.memory_space<semaphore_mem>>
      %dma_start3A_20 = arith.constant 0 : i32
      %dma_start3A_21 = tpu.memref_slice %arg4[%mul3A_2, %dma_start3A_20] : memref<448x128xi32, #tpu.memory_space<hbm>> -> memref<10x128xi32, #tpu.memory_space<hbm>>
      %dma_start3A_22 = arith.constant 0 : i32
      %dma_start3A_23 = tpu.memref_slice %arg4[%mul3A_2, %dma_start3A_22] : memref<448x128xi32, #tpu.memory_space<hbm>> -> memref<10x128xi32, #tpu.memory_space<hbm>>
      tpu.enqueue_dma source(%dma_start3A_23 : memref<10x128xi32, #tpu.memory_space<hbm>>) target(%arg7 : memref<10x128xi32, #tpu.memory_space<vmem>>) target_semaphore(%run_scoped3A : memref<!tpu.dma_semaphore, #tpu.memory_space<semaphore_mem>>)
      %dma_wait3A = arith.constant 0 : i32
      %dma_wait3A_24 = tpu.memref_slice %arg4[%mul3A_2, %dma_wait3A] : memref<448x128xi32, #tpu.memory_space<hbm>> -> memref<10x128xi32, #tpu.memory_space<hbm>>
      %dma_wait3A_25 = arith.constant 0 : i32
      %dma_wait3A_26 = tpu.memref_slice %arg4[%mul3A_2, %dma_wait3A_25] : memref<448x128xi32, #tpu.memory_space<hbm>> -> memref<10x128xi32, #tpu.memory_space<hbm>>
      tpu.wait_dma2 semaphore(%run_scoped3A : memref<!tpu.dma_semaphore, #tpu.memory_space<semaphore_mem>>) src(%dma_wait3A_26 : memref<10x128xi32, #tpu.memory_space<hbm>>) dst(%arg7 : memref<10x128xi32, #tpu.memory_space<vmem>>)
      tpu.yield
    }) : () -> ()
    "tpu.region"() ({
      %run_scoped3A = tpu.sem_alloc : memref<!tpu.dma_semaphore, #tpu.memory_space<semaphore_mem>>
      %dma_start3A_20 = arith.constant 0 : i32
      %dma_start3A_21 = tpu.memref_slice %arg5[%mul3A_2, %dma_start3A_20] : memref<448x128xi32, #tpu.memory_space<hbm>> -> memref<10x128xi32, #tpu.memory_space<hbm>>
      %dma_start3A_22 = arith.constant 0 : i32
      %dma_start3A_23 = tpu.memref_slice %arg5[%mul3A_2, %dma_start3A_22] : memref<448x128xi32, #tpu.memory_space<hbm>> -> memref<10x128xi32, #tpu.memory_space<hbm>>
      tpu.enqueue_dma source(%dma_start3A_23 : memref<10x128xi32, #tpu.memory_space<hbm>>) target(%arg8 : memref<10x128xi32, #tpu.memory_space<vmem>>) target_semaphore(%run_scoped3A : memref<!tpu.dma_semaphore, #tpu.memory_space<semaphore_mem>>)
      %dma_wait3A = arith.constant 0 : i32
      %dma_wait3A_24 = tpu.memref_slice %arg5[%mul3A_2, %dma_wait3A] : memref<448x128xi32, #tpu.memory_space<hbm>> -> memref<10x128xi32, #tpu.memory_space<hbm>>
      %dma_wait3A_25 = arith.constant 0 : i32
      %dma_wait3A_26 = tpu.memref_slice %arg5[%mul3A_2, %dma_wait3A_25] : memref<448x128xi32, #tpu.memory_space<hbm>> -> memref<10x128xi32, #tpu.memory_space<hbm>>
      tpu.wait_dma2 semaphore(%run_scoped3A : memref<!tpu.dma_semaphore, #tpu.memory_space<semaphore_mem>>) src(%dma_wait3A_26 : memref<10x128xi32, #tpu.memory_space<hbm>>) dst(%arg8 : memref<10x128xi32, #tpu.memory_space<vmem>>)
      tpu.yield
    }) : () -> ()
    %dma_start3A = arith.constant 0 : i32
    %dma_start3A_3 = arith.constant 0 : i32
    %dma_start3A_4 = tpu.memref_slice %arg7[%dma_start3A, %dma_start3A_3] : memref<10x128xi32, #tpu.memory_space<vmem>> -> memref<1x128xi32, #tpu.memory_space<vmem>>
    %dma_start3A_5 = tpu.memref_squeeze %dma_start3A_4 : memref<1x128xi32, #tpu.memory_space<vmem>> -> memref<128xi32, #tpu.memory_space<vmem>>
    %dma_start3A_6 = arith.constant 0 : i32
    %dma_start3A_7 = arith.constant 0 : i32
    %dma_start3A_8 = tpu.memref_slice %arg2[%dma_start3A_6, %dma_start3A_7] : memref<10016x64xf32, #tpu.memory_space<hbm>> -> memref<10016x64xf32, #tpu.memory_space<hbm>>
    tpu.enqueue_indirect_dma source(%dma_start3A_8 : memref<10016x64xf32, #tpu.memory_space<hbm>>) target(%arg9 : memref<128x64xf32, #tpu.memory_space<vmem>>) offsets(%dma_start3A_5 : memref<128xi32, #tpu.memory_space<vmem>>) semaphore(%arg15 : memref<!tpu.dma_semaphore, #tpu.memory_space<semaphore_mem>>)
    %dma_start3A_9 = arith.constant 0 : i32
    %dma_start3A_10 = arith.constant 0 : i32
    %dma_start3A_11 = tpu.memref_slice %arg8[%dma_start3A_9, %dma_start3A_10] : memref<10x128xi32, #tpu.memory_space<vmem>> -> memref<1x128xi32, #tpu.memory_space<vmem>>
    %dma_start3A_12 = tpu.memref_squeeze %dma_start3A_11 : memref<1x128xi32, #tpu.memory_space<vmem>> -> memref<128xi32, #tpu.memory_space<vmem>>
    %dma_start3A_13 = arith.constant 0 : i32
    %dma_start3A_14 = arith.constant 0 : i32
    %dma_start3A_15 = tpu.memref_slice %arg3[%dma_start3A_13, %dma_start3A_14] : memref<2000x64xf32, #tpu.memory_space<hbm>> -> memref<2000x64xf32, #tpu.memory_space<hbm>>
    tpu.enqueue_indirect_dma source(%dma_start3A_15 : memref<2000x64xf32, #tpu.memory_space<hbm>>) target(%arg10 : memref<128x64xf32, #tpu.memory_space<vmem>>) offsets(%dma_start3A_12 : memref<128xi32, #tpu.memory_space<vmem>>) semaphore(%arg15 : memref<!tpu.dma_semaphore, #tpu.memory_space<semaphore_mem>>)
    %scan3A = arith.constant 0 : i32
    %scan3A_16 = arith.constant 5 : i32
    %scan3A_17 = arith.addi %scan3A, %scan3A_16 : i32
    %scan3A_18 = arith.constant 1 : i32
    scf.for %scan3A_20 = %scan3A to %scan3A_17 step %scan3A_18  : i32 {
      %mul3A_21 = arith.constant 2 : i32
      %mul3A_22 = arith.muli %scan3A_20, %mul3A_21 : i32
      %add3A_23 = arith.constant 0 : i32
      %add3A_24 = arith.addi %add3A_23, %mul3A_22 : i32
      %add3A_25 = arith.constant 1 : i32
      %add3A_26 = arith.addi %add3A_24, %add3A_25 : i32
      %dma_start3A_27 = arith.constant 0 : i32
      %dma_start3A_28 = tpu.memref_slice %arg7[%add3A_26, %dma_start3A_27] : memref<10x128xi32, #tpu.memory_space<vmem>> -> memref<1x128xi32, #tpu.memory_space<vmem>>
      %dma_start3A_29 = tpu.memref_squeeze %dma_start3A_28 : memref<1x128xi32, #tpu.memory_space<vmem>> -> memref<128xi32, #tpu.memory_space<vmem>>
      %dma_start3A_30 = arith.constant 0 : i32
      %dma_start3A_31 = arith.constant 0 : i32
      %dma_start3A_32 = tpu.memref_slice %arg2[%dma_start3A_30, %dma_start3A_31] : memref<10016x64xf32, #tpu.memory_space<hbm>> -> memref<10016x64xf32, #tpu.memory_space<hbm>>
      tpu.enqueue_indirect_dma source(%dma_start3A_32 : memref<10016x64xf32, #tpu.memory_space<hbm>>) target(%arg12 : memref<128x64xf32, #tpu.memory_space<vmem>>) offsets(%dma_start3A_29 : memref<128xi32, #tpu.memory_space<vmem>>) semaphore(%arg16 : memref<!tpu.dma_semaphore, #tpu.memory_space<semaphore_mem>>)
      %dma_start3A_33 = arith.constant 0 : i32
      %dma_start3A_34 = tpu.memref_slice %arg8[%add3A_26, %dma_start3A_33] : memref<10x128xi32, #tpu.memory_space<vmem>> -> memref<1x128xi32, #tpu.memory_space<vmem>>
      %dma_start3A_35 = tpu.memref_squeeze %dma_start3A_34 : memref<1x128xi32, #tpu.memory_space<vmem>> -> memref<128xi32, #tpu.memory_space<vmem>>
      %dma_start3A_36 = arith.constant 0 : i32
      %dma_start3A_37 = arith.constant 0 : i32
      %dma_start3A_38 = tpu.memref_slice %arg3[%dma_start3A_36, %dma_start3A_37] : memref<2000x64xf32, #tpu.memory_space<hbm>> -> memref<2000x64xf32, #tpu.memory_space<hbm>>
      tpu.enqueue_indirect_dma source(%dma_start3A_38 : memref<2000x64xf32, #tpu.memory_space<hbm>>) target(%arg13 : memref<128x64xf32, #tpu.memory_space<vmem>>) offsets(%dma_start3A_35 : memref<128xi32, #tpu.memory_space<vmem>>) semaphore(%arg16 : memref<!tpu.dma_semaphore, #tpu.memory_space<semaphore_mem>>)
      %dma_wait3A = arith.constant 0 : i32
      %dma_wait3A_39 = tpu.memref_slice %arg7[%add3A_24, %dma_wait3A] : memref<10x128xi32, #tpu.memory_space<vmem>> -> memref<1x128xi32, #tpu.memory_space<vmem>>
      %dma_wait3A_40 = tpu.memref_squeeze %dma_wait3A_39 : memref<1x128xi32, #tpu.memory_space<vmem>> -> memref<128xi32, #tpu.memory_space<vmem>>
      %dma_wait3A_41 = arith.constant 0 : i32
      %dma_wait3A_42 = arith.constant 0 : i32
      %dma_wait3A_43 = tpu.memref_slice %arg2[%dma_wait3A_41, %dma_wait3A_42] : memref<10016x64xf32, #tpu.memory_space<hbm>> -> memref<10016x64xf32, #tpu.memory_space<hbm>>
      tpu.wait_indirect_dma semaphore(%arg15 : memref<!tpu.dma_semaphore, #tpu.memory_space<semaphore_mem>>) src(%dma_wait3A_43 : memref<10016x64xf32, #tpu.memory_space<hbm>>) dst(%arg9 : memref<128x64xf32, #tpu.memory_space<vmem>>)
      %dma_wait3A_44 = arith.constant 0 : i32
      %dma_wait3A_45 = tpu.memref_slice %arg8[%add3A_24, %dma_wait3A_44] : memref<10x128xi32, #tpu.memory_space<vmem>> -> memref<1x128xi32, #tpu.memory_space<vmem>>
      %dma_wait3A_46 = tpu.memref_squeeze %dma_wait3A_45 : memref<1x128xi32, #tpu.memory_space<vmem>> -> memref<128xi32, #tpu.memory_space<vmem>>
      %dma_wait3A_47 = arith.constant 0 : i32
      %dma_wait3A_48 = arith.constant 0 : i32
      %dma_wait3A_49 = tpu.memref_slice %arg3[%dma_wait3A_47, %dma_wait3A_48] : memref<2000x64xf32, #tpu.memory_space<hbm>> -> memref<2000x64xf32, #tpu.memory_space<hbm>>
      tpu.wait_indirect_dma semaphore(%arg15 : memref<!tpu.dma_semaphore, #tpu.memory_space<semaphore_mem>>) src(%dma_wait3A_49 : memref<2000x64xf32, #tpu.memory_space<hbm>>) dst(%arg10 : memref<128x64xf32, #tpu.memory_space<vmem>>)
      %scan3A_50 = arith.constant 0 : i32
      %scan3A_51 = arith.constant 64 : i32
      %scan3A_52 = arith.addi %scan3A_50, %scan3A_51 : i32
      %scan3A_53 = arith.constant 4 : i32
      scf.for %scan3A_84 = %scan3A_50 to %scan3A_52 step %scan3A_53  : i32 {
        %mul3A_85 = arith.constant 1 : i32
        %mul3A_86 = arith.muli %scan3A_84, %mul3A_85 : i32
        %add3A_87 = arith.constant 0 : i32
        %add3A_88 = arith.addi %add3A_87, %mul3A_86 : i32
        %mul3A_89 = arith.constant 2 : i32
        %mul3A_90 = arith.muli %mul3A_89, %add3A_88 : i32
        %add3A_91 = arith.constant 0 : i32
        %add3A_92 = arith.addi %mul3A_90, %add3A_91 : i32
        %get3A = arith.index_cast %add3A_92 : i32 to index
        %get3A_93 = arith.constant 0 : index
        %get3A_94 = tpu.vector_load %arg9[%get3A, %get3A_93] {strides = array<i32>} : memref<128x64xf32, #tpu.memory_space<vmem>>, vector<1x16xf32>,
        %get3A_95 = vector.shape_cast %get3A_94 : vector<1x16xf32> to vector<16xf32>
        %mul3A_96 = arith.constant 2 : i32
        %mul3A_97 = arith.muli %mul3A_96, %add3A_88 : i32
        %add3A_98 = arith.constant 0 : i32
        %add3A_99 = arith.addi %mul3A_97, %add3A_98 : i32
        %get3A_100 = arith.index_cast %add3A_99 : i32 to index
        %get3A_101 = arith.constant 0 : index
        %get3A_102 = tpu.vector_load %arg10[%get3A_100, %get3A_101] {strides = array<i32>} : memref<128x64xf32, #tpu.memory_space<vmem>>, vector<1x16xf32>,
        %get3A_103 = vector.shape_cast %get3A_102 : vector<1x16xf32> to vector<16xf32>
        %add3A_104 = arith.addf %get3A_95, %get3A_103 : vector<16xf32>
        %swap3A = arith.index_cast %add3A_88 : i32 to index
        %swap3A_105 = arith.constant 0 : index
        %swap3A_106 = tpu.vector_load %arg11[%swap3A, %swap3A_105] {strides = array<i32>} : memref<64x128xf32, #tpu.memory_space<vmem>>, vector<1x16xf32>,
        %swap3A_107 = vector.shape_cast %swap3A_106 : vector<1x16xf32> to vector<16xf32>
        %swap3A_108 = vector.shape_cast %add3A_104 : vector<16xf32> to vector<1x16xf32>
        tpu.vector_store %arg11[%swap3A, %swap3A_105], %swap3A_108 {strides = array<i32>} : memref<64x128xf32, #tpu.memory_space<vmem>>, vector<1x16xf32>,
        %mul3A_109 = arith.constant 2 : i32
        %mul3A_110 = arith.muli %mul3A_109, %add3A_88 : i32
        %add3A_111 = arith.constant 0 : i32
        %add3A_112 = arith.addi %mul3A_110, %add3A_111 : i32
        %get3A_113 = arith.index_cast %add3A_112 : i32 to index
        %get3A_114 = arith.constant 16 : index
        %get3A_115 = tpu.vector_load %arg9[%get3A_113, %get3A_114] {strides = array<i32>} : memref<128x64xf32, #tpu.memory_space<vmem>>, vector<1x16xf32>,
        %get3A_116 = vector.shape_cast %get3A_115 : vector<1x16xf32> to vector<16xf32>
        %mul3A_117 = arith.constant 2 : i32
        %mul3A_118 = arith.muli %mul3A_117, %add3A_88 : i32
        %add3A_119 = arith.constant 0 : i32
        %add3A_120 = arith.addi %mul3A_118, %add3A_119 : i32
        %get3A_121 = arith.index_cast %add3A_120 : i32 to index
        %get3A_122 = arith.constant 16 : index
        %get3A_123 = tpu.vector_load %arg10[%get3A_121, %get3A_122] {strides = array<i32>} : memref<128x64xf32, #tpu.memory_space<vmem>>, vector<1x16xf32>,
        %get3A_124 = vector.shape_cast %get3A_123 : vector<1x16xf32> to vector<16xf32>
        %add3A_125 = arith.addf %get3A_116, %get3A_124 : vector<16xf32>
        %swap3A_126 = arith.index_cast %add3A_88 : i32 to index
        %swap3A_127 = arith.constant 16 : index
        %swap3A_128 = tpu.vector_load %arg11[%swap3A_126, %swap3A_127] {strides = array<i32>} : memref<64x128xf32, #tpu.memory_space<vmem>>, vector<1x16xf32>,
        %swap3A_129 = vector.shape_cast %swap3A_128 : vector<1x16xf32> to vector<16xf32>
        %swap3A_130 = vector.shape_cast %add3A_125 : vector<16xf32> to vector<1x16xf32>
        tpu.vector_store %arg11[%swap3A_126, %swap3A_127], %swap3A_130 {strides = array<i32>} : memref<64x128xf32, #tpu.memory_space<vmem>>, vector<1x16xf32>,
        %mul3A_131 = arith.constant 2 : i32
        %mul3A_132 = arith.muli %mul3A_131, %add3A_88 : i32
        %add3A_133 = arith.constant 0 : i32
        %add3A_134 = arith.addi %mul3A_132, %add3A_133 : i32
        %get3A_135 = arith.index_cast %add3A_134 : i32 to index
        %get3A_136 = arith.constant 32 : index
        %get3A_137 = tpu.vector_load %arg9[%get3A_135, %get3A_136] {strides = array<i32>} : memref<128x64xf32, #tpu.memory_space<vmem>>, vector<1x16xf32>,
        %get3A_138 = vector.shape_cast %get3A_137 : vector<1x16xf32> to vector<16xf32>
        %mul3A_139 = arith.constant 2 : i32
        %mul3A_140 = arith.muli %mul3A_139, %add3A_88 : i32
        %add3A_141 = arith.constant 0 : i32
        %add3A_142 = arith.addi %mul3A_140, %add3A_141 : i32
        %get3A_143 = arith.index_cast %add3A_142 : i32 to index
        %get3A_144 = arith.constant 32 : index
        %get3A_145 = tpu.vector_load %arg10[%get3A_143, %get3A_144] {strides = array<i32>} : memref<128x64xf32, #tpu.memory_space<vmem>>, vector<1x16xf32>,
        %get3A_146 = vector.shape_cast %get3A_145 : vector<1x16xf32> to vector<16xf32>
        %add3A_147 = arith.addf %get3A_138, %get3A_146 : vector<16xf32>
        %swap3A_148 = arith.index_cast %add3A_88 : i32 to index
        %swap3A_149 = arith.constant 32 : index
        %swap3A_150 = tpu.vector_load %arg11[%swap3A_148, %swap3A_149] {strides = array<i32>} : memref<64x128xf32, #tpu.memory_space<vmem>>, vector<1x16xf32>,
        %swap3A_151 = vector.shape_cast %swap3A_150 : vector<1x16xf32> to vector<16xf32>
        %swap3A_152 = vector.shape_cast %add3A_147 : vector<16xf32> to vector<1x16xf32>
        tpu.vector_store %arg11[%swap3A_148, %swap3A_149], %swap3A_152 {strides = array<i32>} : memref<64x128xf32, #tpu.memory_space<vmem>>, vector<1x16xf32>,
        %mul3A_153 = arith.constant 2 : i32
        %mul3A_154 = arith.muli %mul3A_153, %add3A_88 : i32
        %add3A_155 = arith.constant 0 : i32
        %add3A_156 = arith.addi %mul3A_154, %add3A_155 : i32
        %get3A_157 = arith.index_cast %add3A_156 : i32 to index
        %get3A_158 = arith.constant 48 : index
        %get3A_159 = tpu.vector_load %arg9[%get3A_157, %get3A_158] {strides = array<i32>} : memref<128x64xf32, #tpu.memory_space<vmem>>, vector<1x16xf32>,
        %get3A_160 = vector.shape_cast %get3A_159 : vector<1x16xf32> to vector<16xf32>
        %mul3A_161 = arith.constant 2 : i32
        %mul3A_162 = arith.muli %mul3A_161, %add3A_88 : i32
        %add3A_163 = arith.constant 0 : i32
        %add3A_164 = arith.addi %mul3A_162, %add3A_163 : i32
        %get3A_165 = arith.index_cast %add3A_164 : i32 to index
        %get3A_166 = arith.constant 48 : index
        %get3A_167 = tpu.vector_load %arg10[%get3A_165, %get3A_166] {strides = array<i32>} : memref<128x64xf32, #tpu.memory_space<vmem>>, vector<1x16xf32>,
        %get3A_168 = vector.shape_cast %get3A_167 : vector<1x16xf32> to vector<16xf32>
        %add3A_169 = arith.addf %get3A_160, %get3A_168 : vector<16xf32>
        %swap3A_170 = arith.index_cast %add3A_88 : i32 to index
        %swap3A_171 = arith.constant 48 : index
        %swap3A_172 = tpu.vector_load %arg11[%swap3A_170, %swap3A_171] {strides = array<i32>} : memref<64x128xf32, #tpu.memory_space<vmem>>, vector<1x16xf32>,
        %swap3A_173 = vector.shape_cast %swap3A_172 : vector<1x16xf32> to vector<16xf32>
        %swap3A_174 = vector.shape_cast %add3A_169 : vector<16xf32> to vector<1x16xf32>
        tpu.vector_store %arg11[%swap3A_170, %swap3A_171], %swap3A_174 {strides = array<i32>} : memref<64x128xf32, #tpu.memory_space<vmem>>, vector<1x16xf32>,
        %mul3A_175 = arith.constant 2 : i32
        %mul3A_176 = arith.muli %mul3A_175, %add3A_88 : i32
        %add3A_177 = arith.constant 1 : i32
        %add3A_178 = arith.addi %mul3A_176, %add3A_177 : i32
        %get3A_179 = arith.index_cast %add3A_178 : i32 to index
        %get3A_180 = arith.constant 0 : index
        %get3A_181 = tpu.vector_load %arg9[%get3A_179, %get3A_180] {strides = array<i32>} : memref<128x64xf32, #tpu.memory_space<vmem>>, vector<1x16xf32>,
        %get3A_182 = vector.shape_cast %get3A_181 : vector<1x16xf32> to vector<16xf32>
        %mul3A_183 = arith.constant 2 : i32
        %mul3A_184 = arith.muli %mul3A_183, %add3A_88 : i32
        %add3A_185 = arith.constant 1 : i32
        %add3A_186 = arith.addi %mul3A_184, %add3A_185 : i32
        %get3A_187 = arith.index_cast %add3A_186 : i32 to index
        %get3A_188 = arith.constant 0 : index
        %get3A_189 = tpu.vector_load %arg10[%get3A_187, %get3A_188] {strides = array<i32>} : memref<128x64xf32, #tpu.memory_space<vmem>>, vector<1x16xf32>,
        %get3A_190 = vector.shape_cast %get3A_189 : vector<1x16xf32> to vector<16xf32>
        %add3A_191 = arith.addf %get3A_182, %get3A_190 : vector<16xf32>
        %swap3A_192 = arith.index_cast %add3A_88 : i32 to index
        %swap3A_193 = arith.constant 64 : index
        %swap3A_194 = tpu.vector_load %arg11[%swap3A_192, %swap3A_193] {strides = array<i32>} : memref<64x128xf32, #tpu.memory_space<vmem>>, vector<1x16xf32>,
        %swap3A_195 = vector.shape_cast %swap3A_194 : vector<1x16xf32> to vector<16xf32>
        %swap3A_196 = vector.shape_cast %add3A_191 : vector<16xf32> to vector<1x16xf32>
        tpu.vector_store %arg11[%swap3A_192, %swap3A_193], %swap3A_196 {strides = array<i32>} : memref<64x128xf32, #tpu.memory_space<vmem>>, vector<1x16xf32>,
        %mul3A_197 = arith.constant 2 : i32
        %mul3A_198 = arith.muli %mul3A_197, %add3A_88 : i32
        %add3A_199 = arith.constant 1 : i32
        %add3A_200 = arith.addi %mul3A_198, %add3A_199 : i32
        %get3A_201 = arith.index_cast %add3A_200 : i32 to index
        %get3A_202 = arith.constant 16 : index
        %get3A_203 = tpu.vector_load %arg9[%get3A_201, %get3A_202] {strides = array<i32>} : memref<128x64xf32, #tpu.memory_space<vmem>>, vector<1x16xf32>,
        %get3A_204 = vector.shape_cast %get3A_203 : vector<1x16xf32> to vector<16xf32>
        %mul3A_205 = arith.constant 2 : i32
        %mul3A_206 = arith.muli %mul3A_205, %add3A_88 : i32
        %add3A_207 = arith.constant 1 : i32
        %add3A_208 = arith.addi %mul3A_206, %add3A_207 : i32
        %get3A_209 = arith.index_cast %add3A_208 : i32 to index
        %get3A_210 = arith.constant 16 : index
        %get3A_211 = tpu.vector_load %arg10[%get3A_209, %get3A_210] {strides = array<i32>} : memref<128x64xf32, #tpu.memory_space<vmem>>, vector<1x16xf32>,
        %get3A_212 = vector.shape_cast %get3A_211 : vector<1x16xf32> to vector<16xf32>
        %add3A_213 = arith.addf %get3A_204, %get3A_212 : vector<16xf32>
        %swap3A_214 = arith.index_cast %add3A_88 : i32 to index
        %swap3A_215 = arith.constant 80 : index
        %swap3A_216 = tpu.vector_load %arg11[%swap3A_214, %swap3A_215] {strides = array<i32>} : memref<64x128xf32, #tpu.memory_space<vmem>>, vector<1x16xf32>,
        %swap3A_217 = vector.shape_cast %swap3A_216 : vector<1x16xf32> to vector<16xf32>
        %swap3A_218 = vector.shape_cast %add3A_213 : vector<16xf32> to vector<1x16xf32>
        tpu.vector_store %arg11[%swap3A_214, %swap3A_215], %swap3A_218 {strides = array<i32>} : memref<64x128xf32, #tpu.memory_space<vmem>>, vector<1x16xf32>,
        %mul3A_219 = arith.constant 2 : i32
        %mul3A_220 = arith.muli %mul3A_219, %add3A_88 : i32
        %add3A_221 = arith.constant 1 : i32
        %add3A_222 = arith.addi %mul3A_220, %add3A_221 : i32
        %get3A_223 = arith.index_cast %add3A_222 : i32 to index
        %get3A_224 = arith.constant 32 : index
        %get3A_225 = tpu.vector_load %arg9[%get3A_223, %get3A_224] {strides = array<i32>} : memref<128x64xf32, #tpu.memory_space<vmem>>, vector<1x16xf32>,
        %get3A_226 = vector.shape_cast %get3A_225 : vector<1x16xf32> to vector<16xf32>
        %mul3A_227 = arith.constant 2 : i32
        %mul3A_228 = arith.muli %mul3A_227, %add3A_88 : i32
        %add3A_229 = arith.constant 1 : i32
        %add3A_230 = arith.addi %mul3A_228, %add3A_229 : i32
        %get3A_231 = arith.index_cast %add3A_230 : i32 to index
        %get3A_232 = arith.constant 32 : index
        %get3A_233 = tpu.vector_load %arg10[%get3A_231, %get3A_232] {strides = array<i32>} : memref<128x64xf32, #tpu.memory_space<vmem>>, vector<1x16xf32>,
        %get3A_234 = vector.shape_cast %get3A_233 : vector<1x16xf32> to vector<16xf32>
        %add3A_235 = arith.addf %get3A_226, %get3A_234 : vector<16xf32>
        %swap3A_236 = arith.index_cast %add3A_88 : i32 to index
        %swap3A_237 = arith.constant 96 : index
        %swap3A_238 = tpu.vector_load %arg11[%swap3A_236, %swap3A_237] {strides = array<i32>} : memref<64x128xf32, #tpu.memory_space<vmem>>, vector<1x16xf32>,
        %swap3A_239 = vector.shape_cast %swap3A_238 : vector<1x16xf32> to vector<16xf32>
        %swap3A_240 = vector.shape_cast %add3A_235 : vector<16xf32> to vector<1x16xf32>
        tpu.vector_store %arg11[%swap3A_236, %swap3A_237], %swap3A_240 {strides = array<i32>} : memref<64x128xf32, #tpu.memory_space<vmem>>, vector<1x16xf32>,
        %mul3A_241 = arith.constant 2 : i32
        %mul3A_242 = arith.muli %mul3A_241, %add3A_88 : i32
        %add3A_243 = arith.constant 1 : i32
        %add3A_244 = arith.addi %mul3A_242, %add3A_243 : i32
        %get3A_245 = arith.index_cast %add3A_244 : i32 to index
        %get3A_246 = arith.constant 48 : index
        %get3A_247 = tpu.vector_load %arg9[%get3A_245, %get3A_246] {strides = array<i32>} : memref<128x64xf32, #tpu.memory_space<vmem>>, vector<1x16xf32>,
        %get3A_248 = vector.shape_cast %get3A_247 : vector<1x16xf32> to vector<16xf32>
        %mul3A_249 = arith.constant 2 : i32
        %mul3A_250 = arith.muli %mul3A_249, %add3A_88 : i32
        %add3A_251 = arith.constant 1 : i32
        %add3A_252 = arith.addi %mul3A_250, %add3A_251 : i32
        %get3A_253 = arith.index_cast %add3A_252 : i32 to index
        %get3A_254 = arith.constant 48 : index
        %get3A_255 = tpu.vector_load %arg10[%get3A_253, %get3A_254] {strides = array<i32>} : memref<128x64xf32, #tpu.memory_space<vmem>>, vector<1x16xf32>,
        %get3A_256 = vector.shape_cast %get3A_255 : vector<1x16xf32> to vector<16xf32>
        %add3A_257 = arith.addf %get3A_248, %get3A_256 : vector<16xf32>
        %swap3A_258 = arith.index_cast %add3A_88 : i32 to index
        %swap3A_259 = arith.constant 112 : index
        %swap3A_260 = tpu.vector_load %arg11[%swap3A_258, %swap3A_259] {strides = array<i32>} : memref<64x128xf32, #tpu.memory_space<vmem>>, vector<1x16xf32>,
        %swap3A_261 = vector.shape_cast %swap3A_260 : vector<1x16xf32> to vector<16xf32>
        %swap3A_262 = vector.shape_cast %add3A_257 : vector<16xf32> to vector<1x16xf32>
        tpu.vector_store %arg11[%swap3A_258, %swap3A_259], %swap3A_262 {strides = array<i32>} : memref<64x128xf32, #tpu.memory_space<vmem>>, vector<1x16xf32>,
        %scan3A_263 = arith.constant 1 : i32
        %scan3A_264 = arith.addi %scan3A_84, %scan3A_263 : i32
        %mul3A_265 = arith.constant 1 : i32
        %mul3A_266 = arith.muli %scan3A_264, %mul3A_265 : i32
        %add3A_267 = arith.constant 0 : i32
        %add3A_268 = arith.addi %add3A_267, %mul3A_266 : i32
        %mul3A_269 = arith.constant 2 : i32
        %mul3A_270 = arith.muli %mul3A_269, %add3A_268 : i32
        %add3A_271 = arith.constant 0 : i32
        %add3A_272 = arith.addi %mul3A_270, %add3A_271 : i32
        %get3A_273 = arith.index_cast %add3A_272 : i32 to index
        %get3A_274 = arith.constant 0 : index
        %get3A_275 = tpu.vector_load %arg9[%get3A_273, %get3A_274] {strides = array<i32>} : memref<128x64xf32, #tpu.memory_space<vmem>>, vector<1x16xf32>,
        %get3A_276 = vector.shape_cast %get3A_275 : vector<1x16xf32> to vector<16xf32>
        %mul3A_277 = arith.constant 2 : i32
        %mul3A_278 = arith.muli %mul3A_277, %add3A_268 : i32
        %add3A_279 = arith.constant 0 : i32
        %add3A_280 = arith.addi %mul3A_278, %add3A_279 : i32
        %get3A_281 = arith.index_cast %add3A_280 : i32 to index
        %get3A_282 = arith.constant 0 : index
        %get3A_283 = tpu.vector_load %arg10[%get3A_281, %get3A_282] {strides = array<i32>} : memref<128x64xf32, #tpu.memory_space<vmem>>, vector<1x16xf32>,
        %get3A_284 = vector.shape_cast %get3A_283 : vector<1x16xf32> to vector<16xf32>
        %add3A_285 = arith.addf %get3A_276, %get3A_284 : vector<16xf32>
        %swap3A_286 = arith.index_cast %add3A_268 : i32 to index
        %swap3A_287 = arith.constant 0 : index
        %swap3A_288 = tpu.vector_load %arg11[%swap3A_286, %swap3A_287] {strides = array<i32>} : memref<64x128xf32, #tpu.memory_space<vmem>>, vector<1x16xf32>,
        %swap3A_289 = vector.shape_cast %swap3A_288 : vector<1x16xf32> to vector<16xf32>
        %swap3A_290 = vector.shape_cast %add3A_285 : vector<16xf32> to vector<1x16xf32>
        tpu.vector_store %arg11[%swap3A_286, %swap3A_287], %swap3A_290 {strides = array<i32>} : memref<64x128xf32, #tpu.memory_space<vmem>>, vector<1x16xf32>,
        %mul3A_291 = arith.constant 2 : i32
        %mul3A_292 = arith.muli %mul3A_291, %add3A_268 : i32
        %add3A_293 = arith.constant 0 : i32
        %add3A_294 = arith.addi %mul3A_292, %add3A_293 : i32
        %get3A_295 = arith.index_cast %add3A_294 : i32 to index
        %get3A_296 = arith.constant 16 : index
        %get3A_297 = tpu.vector_load %arg9[%get3A_295, %get3A_296] {strides = array<i32>} : memref<128x64xf32, #tpu.memory_space<vmem>>, vector<1x16xf32>,
        %get3A_298 = vector.shape_cast %get3A_297 : vector<1x16xf32> to vector<16xf32>
        %mul3A_299 = arith.constant 2 : i32
        %mul3A_300 = arith.muli %mul3A_299, %add3A_268 : i32
        %add3A_301 = arith.constant 0 : i32
        %add3A_302 = arith.addi %mul3A_300, %add3A_301 : i32
        %get3A_303 = arith.index_cast %add3A_302 : i32 to index
        %get3A_304 = arith.constant 16 : index
        %get3A_305 = tpu.vector_load %arg10[%get3A_303, %get3A_304] {strides = array<i32>} : memref<128x64xf32, #tpu.memory_space<vmem>>, vector<1x16xf32>,
        %get3A_306 = vector.shape_cast %get3A_305 : vector<1x16xf32> to vector<16xf32>
        %add3A_307 = arith.addf %get3A_298, %get3A_306 : vector<16xf32>
        %swap3A_308 = arith.index_cast %add3A_268 : i32 to index
        %swap3A_309 = arith.constant 16 : index
        %swap3A_310 = tpu.vector_load %arg11[%swap3A_308, %swap3A_309] {strides = array<i32>} : memref<64x128xf32, #tpu.memory_space<vmem>>, vector<1x16xf32>,
        %swap3A_311 = vector.shape_cast %swap3A_310 : vector<1x16xf32> to vector<16xf32>
        %swap3A_312 = vector.shape_cast %add3A_307 : vector<16xf32> to vector<1x16xf32>
        tpu.vector_store %arg11[%swap3A_308, %swap3A_309], %swap3A_312 {strides = array<i32>} : memref<64x128xf32, #tpu.memory_space<vmem>>, vector<1x16xf32>,
        %mul3A_313 = arith.constant 2 : i32
        %mul3A_314 = arith.muli %mul3A_313, %add3A_268 : i32
        %add3A_315 = arith.constant 0 : i32
        %add3A_316 = arith.addi %mul3A_314, %add3A_315 : i32
        %get3A_317 = arith.index_cast %add3A_316 : i32 to index
        %get3A_318 = arith.constant 32 : index
        %get3A_319 = tpu.vector_load %arg9[%get3A_317, %get3A_318] {strides = array<i32>} : memref<128x64xf32, #tpu.memory_space<vmem>>, vector<1x16xf32>,
        %get3A_320 = vector.shape_cast %get3A_319 : vector<1x16xf32> to vector<16xf32>
        %mul3A_321 = arith.constant 2 : i32
        %mul3A_322 = arith.muli %mul3A_321, %add3A_268 : i32
        %add3A_323 = arith.constant 0 : i32
        %add3A_324 = arith.addi %mul3A_322, %add3A_323 : i32
        %get3A_325 = arith.index_cast %add3A_324 : i32 to index
        %get3A_326 = arith.constant 32 : index
        %get3A_327 = tpu.vector_load %arg10[%get3A_325, %get3A_326] {strides = array<i32>} : memref<128x64xf32, #tpu.memory_space<vmem>>, vector<1x16xf32>,
        %get3A_328 = vector.shape_cast %get3A_327 : vector<1x16xf32> to vector<16xf32>
        %add3A_329 = arith.addf %get3A_320, %get3A_328 : vector<16xf32>
        %swap3A_330 = arith.index_cast %add3A_268 : i32 to index
        %swap3A_331 = arith.constant 32 : index
        %swap3A_332 = tpu.vector_load %arg11[%swap3A_330, %swap3A_331] {strides = array<i32>} : memref<64x128xf32, #tpu.memory_space<vmem>>, vector<1x16xf32>,
        %swap3A_333 = vector.shape_cast %swap3A_332 : vector<1x16xf32> to vector<16xf32>
        %swap3A_334 = vector.shape_cast %add3A_329 : vector<16xf32> to vector<1x16xf32>
        tpu.vector_store %arg11[%swap3A_330, %swap3A_331], %swap3A_334 {strides = array<i32>} : memref<64x128xf32, #tpu.memory_space<vmem>>, vector<1x16xf32>,
        %mul3A_335 = arith.constant 2 : i32
        %mul3A_336 = arith.muli %mul3A_335, %add3A_268 : i32
        %add3A_337 = arith.constant 0 : i32
        %add3A_338 = arith.addi %mul3A_336, %add3A_337 : i32
        %get3A_339 = arith.index_cast %add3A_338 : i32 to index
        %get3A_340 = arith.constant 48 : index
        %get3A_341 = tpu.vector_load %arg9[%get3A_339, %get3A_340] {strides = array<i32>} : memref<128x64xf32, #tpu.memory_space<vmem>>, vector<1x16xf32>,
        %get3A_342 = vector.shape_cast %get3A_341 : vector<1x16xf32> to vector<16xf32>
        %mul3A_343 = arith.constant 2 : i32
        %mul3A_344 = arith.muli %mul3A_343, %add3A_268 : i32
        %add3A_345 = arith.constant 0 : i32
        %add3A_346 = arith.addi %mul3A_344, %add3A_345 : i32
        %get3A_347 = arith.index_cast %add3A_346 : i32 to index
        %get3A_348 = arith.constant 48 : index
        %get3A_349 = tpu.vector_load %arg10[%get3A_347, %get3A_348] {strides = array<i32>} : memref<128x64xf32, #tpu.memory_space<vmem>>, vector<1x16xf32>,
        %get3A_350 = vector.shape_cast %get3A_349 : vector<1x16xf32> to vector<16xf32>
        %add3A_351 = arith.addf %get3A_342, %get3A_350 : vector<16xf32>
        %swap3A_352 = arith.index_cast %add3A_268 : i32 to index
        %swap3A_353 = arith.constant 48 : index
        %swap3A_354 = tpu.vector_load %arg11[%swap3A_352, %swap3A_353] {strides = array<i32>} : memref<64x128xf32, #tpu.memory_space<vmem>>, vector<1x16xf32>,
        %swap3A_355 = vector.shape_cast %swap3A_354 : vector<1x16xf32> to vector<16xf32>
        %swap3A_356 = vector.shape_cast %add3A_351 : vector<16xf32> to vector<1x16xf32>
        tpu.vector_store %arg11[%swap3A_352, %swap3A_353], %swap3A_356 {strides = array<i32>} : memref<64x128xf32, #tpu.memory_space<vmem>>, vector<1x16xf32>,
        %mul3A_357 = arith.constant 2 : i32
        %mul3A_358 = arith.muli %mul3A_357, %add3A_268 : i32
        %add3A_359 = arith.constant 1 : i32
        %add3A_360 = arith.addi %mul3A_358, %add3A_359 : i32
        %get3A_361 = arith.index_cast %add3A_360 : i32 to index
        %get3A_362 = arith.constant 0 : index
        %get3A_363 = tpu.vector_load %arg9[%get3A_361, %get3A_362] {strides = array<i32>} : memref<128x64xf32, #tpu.memory_space<vmem>>, vector<1x16xf32>,
        %get3A_364 = vector.shape_cast %get3A_363 : vector<1x16xf32> to vector<16xf32>
        %mul3A_365 = arith.constant 2 : i32
        %mul3A_366 = arith.muli %mul3A_365, %add3A_268 : i32
        %add3A_367 = arith.constant 1 : i32
        %add3A_368 = arith.addi %mul3A_366, %add3A_367 : i32
        %get3A_369 = arith.index_cast %add3A_368 : i32 to index
        %get3A_370 = arith.constant 0 : index
        %get3A_371 = tpu.vector_load %arg10[%get3A_369, %get3A_370] {strides = array<i32>} : memref<128x64xf32, #tpu.memory_space<vmem>>, vector<1x16xf32>,
        %get3A_372 = vector.shape_cast %get3A_371 : vector<1x16xf32> to vector<16xf32>
        %add3A_373 = arith.addf %get3A_364, %get3A_372 : vector<16xf32>
        %swap3A_374 = arith.index_cast %add3A_268 : i32 to index
        %swap3A_375 = arith.constant 64 : index
        %swap3A_376 = tpu.vector_load %arg11[%swap3A_374, %swap3A_375] {strides = array<i32>} : memref<64x128xf32, #tpu.memory_space<vmem>>, vector<1x16xf32>,
        %swap3A_377 = vector.shape_cast %swap3A_376 : vector<1x16xf32> to vector<16xf32>
        %swap3A_378 = vector.shape_cast %add3A_373 : vector<16xf32> to vector<1x16xf32>
        tpu.vector_store %arg11[%swap3A_374, %swap3A_375], %swap3A_378 {strides = array<i32>} : memref<64x128xf32, #tpu.memory_space<vmem>>, vector<1x16xf32>,
        %mul3A_379 = arith.constant 2 : i32
        %mul3A_380 = arith.muli %mul3A_379, %add3A_268 : i32
        %add3A_381 = arith.constant 1 : i32
        %add3A_382 = arith.addi %mul3A_380, %add3A_381 : i32
        %get3A_383 = arith.index_cast %add3A_382 : i32 to index
        %get3A_384 = arith.constant 16 : index
        %get3A_385 = tpu.vector_load %arg9[%get3A_383, %get3A_384] {strides = array<i32>} : memref<128x64xf32, #tpu.memory_space<vmem>>, vector<1x16xf32>,
        %get3A_386 = vector.shape_cast %get3A_385 : vector<1x16xf32> to vector<16xf32>
        %mul3A_387 = arith.constant 2 : i32
        %mul3A_388 = arith.muli %mul3A_387, %add3A_268 : i32
        %add3A_389 = arith.constant 1 : i32
        %add3A_390 = arith.addi %mul3A_388, %add3A_389 : i32
        %get3A_391 = arith.index_cast %add3A_390 : i32 to index
        %get3A_392 = arith.constant 16 : index
        %get3A_393 = tpu.vector_load %arg10[%get3A_391, %get3A_392] {strides = array<i32>} : memref<128x64xf32, #tpu.memory_space<vmem>>, vector<1x16xf32>,
        %get3A_394 = vector.shape_cast %get3A_393 : vector<1x16xf32> to vector<16xf32>
        %add3A_395 = arith.addf %get3A_386, %get3A_394 : vector<16xf32>
        %swap3A_396 = arith.index_cast %add3A_268 : i32 to index
        %swap3A_397 = arith.constant 80 : index
        %swap3A_398 = tpu.vector_load %arg11[%swap3A_396, %swap3A_397] {strides = array<i32>} : memref<64x128xf32, #tpu.memory_space<vmem>>, vector<1x16xf32>,
        %swap3A_399 = vector.shape_cast %swap3A_398 : vector<1x16xf32> to vector<16xf32>
        %swap3A_400 = vector.shape_cast %add3A_395 : vector<16xf32> to vector<1x16xf32>
        tpu.vector_store %arg11[%swap3A_396, %swap3A_397], %swap3A_400 {strides = array<i32>} : memref<64x128xf32, #tpu.memory_space<vmem>>, vector<1x16xf32>,
        %mul3A_401 = arith.constant 2 : i32
        %mul3A_402 = arith.muli %mul3A_401, %add3A_268 : i32
        %add3A_403 = arith.constant 1 : i32
        %add3A_404 = arith.addi %mul3A_402, %add3A_403 : i32
        %get3A_405 = arith.index_cast %add3A_404 : i32 to index
        %get3A_406 = arith.constant 32 : index
        %get3A_407 = tpu.vector_load %arg9[%get3A_405, %get3A_406] {strides = array<i32>} : memref<128x64xf32, #tpu.memory_space<vmem>>, vector<1x16xf32>,
        %get3A_408 = vector.shape_cast %get3A_407 : vector<1x16xf32> to vector<16xf32>
        %mul3A_409 = arith.constant 2 : i32
        %mul3A_410 = arith.muli %mul3A_409, %add3A_268 : i32
        %add3A_411 = arith.constant 1 : i32
        %add3A_412 = arith.addi %mul3A_410, %add3A_411 : i32
        %get3A_413 = arith.index_cast %add3A_412 : i32 to index
        %get3A_414 = arith.constant 32 : index
        %get3A_415 = tpu.vector_load %arg10[%get3A_413, %get3A_414] {strides = array<i32>} : memref<128x64xf32, #tpu.memory_space<vmem>>, vector<1x16xf32>,
        %get3A_416 = vector.shape_cast %get3A_415 : vector<1x16xf32> to vector<16xf32>
        %add3A_417 = arith.addf %get3A_408, %get3A_416 : vector<16xf32>
        %swap3A_418 = arith.index_cast %add3A_268 : i32 to index
        %swap3A_419 = arith.constant 96 : index
        %swap3A_420 = tpu.vector_load %arg11[%swap3A_418, %swap3A_419] {strides = array<i32>} : memref<64x128xf32, #tpu.memory_space<vmem>>, vector<1x16xf32>,
        %swap3A_421 = vector.shape_cast %swap3A_420 : vector<1x16xf32> to vector<16xf32>
        %swap3A_422 = vector.shape_cast %add3A_417 : vector<16xf32> to vector<1x16xf32>
        tpu.vector_store %arg11[%swap3A_418, %swap3A_419], %swap3A_422 {strides = array<i32>} : memref<64x128xf32, #tpu.memory_space<vmem>>, vector<1x16xf32>,
        %mul3A_423 = arith.constant 2 : i32
        %mul3A_424 = arith.muli %mul3A_423, %add3A_268 : i32
        %add3A_425 = arith.constant 1 : i32
        %add3A_426 = arith.addi %mul3A_424, %add3A_425 : i32
        %get3A_427 = arith.index_cast %add3A_426 : i32 to index
        %get3A_428 = arith.constant 48 : index
        %get3A_429 = tpu.vector_load %arg9[%get3A_427, %get3A_428] {strides = array<i32>} : memref<128x64xf32, #tpu.memory_space<vmem>>, vector<1x16xf32>,
        %get3A_430 = vector.shape_cast %get3A_429 : vector<1x16xf32> to vector<16xf32>
        %mul3A_431 = arith.constant 2 : i32
        %mul3A_432 = arith.muli %mul3A_431, %add3A_268 : i32
        %add3A_433 = arith.constant 1 : i32
        %add3A_434 = arith.addi %mul3A_432, %add3A_433 : i32
        %get3A_435 = arith.index_cast %add3A_434 : i32 to index
        %get3A_436 = arith.constant 48 : index
        %get3A_437 = tpu.vector_load %arg10[%get3A_435, %get3A_436] {strides = array<i32>} : memref<128x64xf32, #tpu.memory_space<vmem>>, vector<1x16xf32>,
        %get3A_438 = vector.shape_cast %get3A_437 : vector<1x16xf32> to vector<16xf32>
        %add3A_439 = arith.addf %get3A_430, %get3A_438 : vector<16xf32>
        %swap3A_440 = arith.index_cast %add3A_268 : i32 to index
        %swap3A_441 = arith.constant 112 : index
        %swap3A_442 = tpu.vector_load %arg11[%swap3A_440, %swap3A_441] {strides = array<i32>} : memref<64x128xf32, #tpu.memory_space<vmem>>, vector<1x16xf32>,
        %swap3A_443 = vector.shape_cast %swap3A_442 : vector<1x16xf32> to vector<16xf32>
        %swap3A_444 = vector.shape_cast %add3A_439 : vector<16xf32> to vector<1x16xf32>
        tpu.vector_store %arg11[%swap3A_440, %swap3A_441], %swap3A_444 {strides = array<i32>} : memref<64x128xf32, #tpu.memory_space<vmem>>, vector<1x16xf32>,
        %scan3A_445 = arith.constant 2 : i32
        %scan3A_446 = arith.addi %scan3A_84, %scan3A_445 : i32
        %mul3A_447 = arith.constant 1 : i32
        %mul3A_448 = arith.muli %scan3A_446, %mul3A_447 : i32
        %add3A_449 = arith.constant 0 : i32
        %add3A_450 = arith.addi %add3A_449, %mul3A_448 : i32
        %mul3A_451 = arith.constant 2 : i32
        %mul3A_452 = arith.muli %mul3A_451, %add3A_450 : i32
        %add3A_453 = arith.constant 0 : i32
        %add3A_454 = arith.addi %mul3A_452, %add3A_453 : i32
        %get3A_455 = arith.index_cast %add3A_454 : i32 to index
        %get3A_456 = arith.constant 0 : index
        %get3A_457 = tpu.vector_load %arg9[%get3A_455, %get3A_456] {strides = array<i32>} : memref<128x64xf32, #tpu.memory_space<vmem>>, vector<1x16xf32>,
        %get3A_458 = vector.shape_cast %get3A_457 : vector<1x16xf32> to vector<16xf32>
        %mul3A_459 = arith.constant 2 : i32
        %mul3A_460 = arith.muli %mul3A_459, %add3A_450 : i32
        %add3A_461 = arith.constant 0 : i32
        %add3A_462 = arith.addi %mul3A_460, %add3A_461 : i32
        %get3A_463 = arith.index_cast %add3A_462 : i32 to index
        %get3A_464 = arith.constant 0 : index
        %get3A_465 = tpu.vector_load %arg10[%get3A_463, %get3A_464] {strides = array<i32>} : memref<128x64xf32, #tpu.memory_space<vmem>>, vector<1x16xf32>,
        %get3A_466 = vector.shape_cast %get3A_465 : vector<1x16xf32> to vector<16xf32>
        %add3A_467 = arith.addf %get3A_458, %get3A_466 : vector<16xf32>
        %swap3A_468 = arith.index_cast %add3A_450 : i32 to index
        %swap3A_469 = arith.constant 0 : index
        %swap3A_470 = tpu.vector_load %arg11[%swap3A_468, %swap3A_469] {strides = array<i32>} : memref<64x128xf32, #tpu.memory_space<vmem>>, vector<1x16xf32>,
        %swap3A_471 = vector.shape_cast %swap3A_470 : vector<1x16xf32> to vector<16xf32>
        %swap3A_472 = vector.shape_cast %add3A_467 : vector<16xf32> to vector<1x16xf32>
        tpu.vector_store %arg11[%swap3A_468, %swap3A_469], %swap3A_472 {strides = array<i32>} : memref<64x128xf32, #tpu.memory_space<vmem>>, vector<1x16xf32>,
        %mul3A_473 = arith.constant 2 : i32
        %mul3A_474 = arith.muli %mul3A_473, %add3A_450 : i32
        %add3A_475 = arith.constant 0 : i32
        %add3A_476 = arith.addi %mul3A_474, %add3A_475 : i32
        %get3A_477 = arith.index_cast %add3A_476 : i32 to index
        %get3A_478 = arith.constant 16 : index
        %get3A_479 = tpu.vector_load %arg9[%get3A_477, %get3A_478] {strides = array<i32>} : memref<128x64xf32, #tpu.memory_space<vmem>>, vector<1x16xf32>,
        %get3A_480 = vector.shape_cast %get3A_479 : vector<1x16xf32> to vector<16xf32>
        %mul3A_481 = arith.constant 2 : i32
        %mul3A_482 = arith.muli %mul3A_481, %add3A_450 : i32
        %add3A_483 = arith.constant 0 : i32
        %add3A_484 = arith.addi %mul3A_482, %add3A_483 : i32
        %get3A_485 = arith.index_cast %add3A_484 : i32 to index
        %get3A_486 = arith.constant 16 : index
        %get3A_487 = tpu.vector_load %arg10[%get3A_485, %get3A_486] {strides = array<i32>} : memref<128x64xf32, #tpu.memory_space<vmem>>, vector<1x16xf32>,
        %get3A_488 = vector.shape_cast %get3A_487 : vector<1x16xf32> to vector<16xf32>
        %add3A_489 = arith.addf %get3A_480, %get3A_488 : vector<16xf32>
        %swap3A_490 = arith.index_cast %add3A_450 : i32 to index
        %swap3A_491 = arith.constant 16 : index
        %swap3A_492 = tpu.vector_load %arg11[%swap3A_490, %swap3A_491] {strides = array<i32>} : memref<64x128xf32, #tpu.memory_space<vmem>>, vector<1x16xf32>,
        %swap3A_493 = vector.shape_cast %swap3A_492 : vector<1x16xf32> to vector<16xf32>
        %swap3A_494 = vector.shape_cast %add3A_489 : vector<16xf32> to vector<1x16xf32>
        tpu.vector_store %arg11[%swap3A_490, %swap3A_491], %swap3A_494 {strides = array<i32>} : memref<64x128xf32, #tpu.memory_space<vmem>>, vector<1x16xf32>,
        %mul3A_495 = arith.constant 2 : i32
        %mul3A_496 = arith.muli %mul3A_495, %add3A_450 : i32
        %add3A_497 = arith.constant 0 : i32
        %add3A_498 = arith.addi %mul3A_496, %add3A_497 : i32
        %get3A_499 = arith.index_cast %add3A_498 : i32 to index
        %get3A_500 = arith.constant 32 : index
        %get3A_501 = tpu.vector_load %arg9[%get3A_499, %get3A_500] {strides = array<i32>} : memref<128x64xf32, #tpu.memory_space<vmem>>, vector<1x16xf32>,
        %get3A_502 = vector.shape_cast %get3A_501 : vector<1x16xf32> to vector<16xf32>
        %mul3A_503 = arith.constant 2 : i32
        %mul3A_504 = arith.muli %mul3A_503, %add3A_450 : i32
        %add3A_505 = arith.constant 0 : i32
        %add3A_506 = arith.addi %mul3A_504, %add3A_505 : i32
        %get3A_507 = arith.index_cast %add3A_506 : i32 to index
        %get3A_508 = arith.constant 32 : index
        %get3A_509 = tpu.vector_load %arg10[%get3A_507, %get3A_508] {strides = array<i32>} : memref<128x64xf32, #tpu.memory_space<vmem>>, vector<1x16xf32>,
        %get3A_510 = vector.shape_cast %get3A_509 : vector<1x16xf32> to vector<16xf32>
        %add3A_511 = arith.addf %get3A_502, %get3A_510 : vector<16xf32>
        %swap3A_512 = arith.index_cast %add3A_450 : i32 to index
        %swap3A_513 = arith.constant 32 : index
        %swap3A_514 = tpu.vector_load %arg11[%swap3A_512, %swap3A_513] {strides = array<i32>} : memref<64x128xf32, #tpu.memory_space<vmem>>, vector<1x16xf32>,
        %swap3A_515 = vector.shape_cast %swap3A_514 : vector<1x16xf32> to vector<16xf32>
        %swap3A_516 = vector.shape_cast %add3A_511 : vector<16xf32> to vector<1x16xf32>
        tpu.vector_store %arg11[%swap3A_512, %swap3A_513], %swap3A_516 {strides = array<i32>} : memref<64x128xf32, #tpu.memory_space<vmem>>, vector<1x16xf32>,
        %mul3A_517 = arith.constant 2 : i32
        %mul3A_518 = arith.muli %mul3A_517, %add3A_450 : i32
        %add3A_519 = arith.constant 0 : i32
        %add3A_520 = arith.addi %mul3A_518, %add3A_519 : i32
        %get3A_521 = arith.index_cast %add3A_520 : i32 to index
        %get3A_522 = arith.constant 48 : index
        %get3A_523 = tpu.vector_load %arg9[%get3A_521, %get3A_522] {strides = array<i32>} : memref<128x64xf32, #tpu.memory_space<vmem>>, vector<1x16xf32>,
        %get3A_524 = vector.shape_cast %get3A_523 : vector<1x16xf32> to vector<16xf32>
        %mul3A_525 = arith.constant 2 : i32
        %mul3A_526 = arith.muli %mul3A_525, %add3A_450 : i32
        %add3A_527 = arith.constant 0 : i32
        %add3A_528 = arith.addi %mul3A_526, %add3A_527 : i32
        %get3A_529 = arith.index_cast %add3A_528 : i32 to index
        %get3A_530 = arith.constant 48 : index
        %get3A_531 = tpu.vector_load %arg10[%get3A_529, %get3A_530] {strides = array<i32>} : memref<128x64xf32, #tpu.memory_space<vmem>>, vector<1x16xf32>,
        %get3A_532 = vector.shape_cast %get3A_531 : vector<1x16xf32> to vector<16xf32>
        %add3A_533 = arith.addf %get3A_524, %get3A_532 : vector<16xf32>
        %swap3A_534 = arith.index_cast %add3A_450 : i32 to index
        %swap3A_535 = arith.constant 48 : index
        %swap3A_536 = tpu.vector_load %arg11[%swap3A_534, %swap3A_535] {strides = array<i32>} : memref<64x128xf32, #tpu.memory_space<vmem>>, vector<1x16xf32>,
        %swap3A_537 = vector.shape_cast %swap3A_536 : vector<1x16xf32> to vector<16xf32>
        %swap3A_538 = vector.shape_cast %add3A_533 : vector<16xf32> to vector<1x16xf32>
        tpu.vector_store %arg11[%swap3A_534, %swap3A_535], %swap3A_538 {strides = array<i32>} : memref<64x128xf32, #tpu.memory_space<vmem>>, vector<1x16xf32>,
        %mul3A_539 = arith.constant 2 : i32
        %mul3A_540 = arith.muli %mul3A_539, %add3A_450 : i32
        %add3A_541 = arith.constant 1 : i32
        %add3A_542 = arith.addi %mul3A_540, %add3A_541 : i32
        %get3A_543 = arith.index_cast %add3A_542 : i32 to index
        %get3A_544 = arith.constant 0 : index
        %get3A_545 = tpu.vector_load %arg9[%get3A_543, %get3A_544] {strides = array<i32>} : memref<128x64xf32, #tpu.memory_space<vmem>>, vector<1x16xf32>,
        %get3A_546 = vector.shape_cast %get3A_545 : vector<1x16xf32> to vector<16xf32>
        %mul3A_547 = arith.constant 2 : i32
        %mul3A_548 = arith.muli %mul3A_547, %add3A_450 : i32
        %add3A_549 = arith.constant 1 : i32
        %add3A_550 = arith.addi %mul3A_548, %add3A_549 : i32
        %get3A_551 = arith.index_cast %add3A_550 : i32 to index
        %get3A_552 = arith.constant 0 : index
        %get3A_553 = tpu.vector_load %arg10[%get3A_551, %get3A_552] {strides = array<i32>} : memref<128x64xf32, #tpu.memory_space<vmem>>, vector<1x16xf32>,
        %get3A_554 = vector.shape_cast %get3A_553 : vector<1x16xf32> to vector<16xf32>
        %add3A_555 = arith.addf %get3A_546, %get3A_554 : vector<16xf32>
        %swap3A_556 = arith.index_cast %add3A_450 : i32 to index
        %swap3A_557 = arith.constant 64 : index
        %swap3A_558 = tpu.vector_load %arg11[%swap3A_556, %swap3A_557] {strides = array<i32>} : memref<64x128xf32, #tpu.memory_space<vmem>>, vector<1x16xf32>,
        %swap3A_559 = vector.shape_cast %swap3A_558 : vector<1x16xf32> to vector<16xf32>
        %swap3A_560 = vector.shape_cast %add3A_555 : vector<16xf32> to vector<1x16xf32>
        tpu.vector_store %arg11[%swap3A_556, %swap3A_557], %swap3A_560 {strides = array<i32>} : memref<64x128xf32, #tpu.memory_space<vmem>>, vector<1x16xf32>,
        %mul3A_561 = arith.constant 2 : i32
        %mul3A_562 = arith.muli %mul3A_561, %add3A_450 : i32
        %add3A_563 = arith.constant 1 : i32
        %add3A_564 = arith.addi %mul3A_562, %add3A_563 : i32
        %get3A_565 = arith.index_cast %add3A_564 : i32 to index
        %get3A_566 = arith.constant 16 : index
        %get3A_567 = tpu.vector_load %arg9[%get3A_565, %get3A_566] {strides = array<i32>} : memref<128x64xf32, #tpu.memory_space<vmem>>, vector<1x16xf32>,
        %get3A_568 = vector.shape_cast %get3A_567 : vector<1x16xf32> to vector<16xf32>
        %mul3A_569 = arith.constant 2 : i32
        %mul3A_570 = arith.muli %mul3A_569, %add3A_450 : i32
        %add3A_571 = arith.constant 1 : i32
        %add3A_572 = arith.addi %mul3A_570, %add3A_571 : i32
        %get3A_573 = arith.index_cast %add3A_572 : i32 to index
        %get3A_574 = arith.constant 16 : index
        %get3A_575 = tpu.vector_load %arg10[%get3A_573, %get3A_574] {strides = array<i32>} : memref<128x64xf32, #tpu.memory_space<vmem>>, vector<1x16xf32>,
        %get3A_576 = vector.shape_cast %get3A_575 : vector<1x16xf32> to vector<16xf32>
        %add3A_577 = arith.addf %get3A_568, %get3A_576 : vector<16xf32>
        %swap3A_578 = arith.index_cast %add3A_450 : i32 to index
        %swap3A_579 = arith.constant 80 : index
        %swap3A_580 = tpu.vector_load %arg11[%swap3A_578, %swap3A_579] {strides = array<i32>} : memref<64x128xf32, #tpu.memory_space<vmem>>, vector<1x16xf32>,
        %swap3A_581 = vector.shape_cast %swap3A_580 : vector<1x16xf32> to vector<16xf32>
        %swap3A_582 = vector.shape_cast %add3A_577 : vector<16xf32> to vector<1x16xf32>
        tpu.vector_store %arg11[%swap3A_578, %swap3A_579], %swap3A_582 {strides = array<i32>} : memref<64x128xf32, #tpu.memory_space<vmem>>, vector<1x16xf32>,
        %mul3A_583 = arith.constant 2 : i32
        %mul3A_584 = arith.muli %mul3A_583, %add3A_450 : i32
        %add3A_585 = arith.constant 1 : i32
        %add3A_586 = arith.addi %mul3A_584, %add3A_585 : i32
        %get3A_587 = arith.index_cast %add3A_586 : i32 to index
        %get3A_588 = arith.constant 32 : index
        %get3A_589 = tpu.vector_load %arg9[%get3A_587, %get3A_588] {strides = array<i32>} : memref<128x64xf32, #tpu.memory_space<vmem>>, vector<1x16xf32>,
        %get3A_590 = vector.shape_cast %get3A_589 : vector<1x16xf32> to vector<16xf32>
        %mul3A_591 = arith.constant 2 : i32
        %mul3A_592 = arith.muli %mul3A_591, %add3A_450 : i32
        %add3A_593 = arith.constant 1 : i32
        %add3A_594 = arith.addi %mul3A_592, %add3A_593 : i32
        %get3A_595 = arith.index_cast %add3A_594 : i32 to index
        %get3A_596 = arith.constant 32 : index
        %get3A_597 = tpu.vector_load %arg10[%get3A_595, %get3A_596] {strides = array<i32>} : memref<128x64xf32, #tpu.memory_space<vmem>>, vector<1x16xf32>,
        %get3A_598 = vector.shape_cast %get3A_597 : vector<1x16xf32> to vector<16xf32>
        %add3A_599 = arith.addf %get3A_590, %get3A_598 : vector<16xf32>
        %swap3A_600 = arith.index_cast %add3A_450 : i32 to index
        %swap3A_601 = arith.constant 96 : index
        %swap3A_602 = tpu.vector_load %arg11[%swap3A_600, %swap3A_601] {strides = array<i32>} : memref<64x128xf32, #tpu.memory_space<vmem>>, vector<1x16xf32>,
        %swap3A_603 = vector.shape_cast %swap3A_602 : vector<1x16xf32> to vector<16xf32>
        %swap3A_604 = vector.shape_cast %add3A_599 : vector<16xf32> to vector<1x16xf32>
        tpu.vector_store %arg11[%swap3A_600, %swap3A_601], %swap3A_604 {strides = array<i32>} : memref<64x128xf32, #tpu.memory_space<vmem>>, vector<1x16xf32>,
        %mul3A_605 = arith.constant 2 : i32
        %mul3A_606 = arith.muli %mul3A_605, %add3A_450 : i32
        %add3A_607 = arith.constant 1 : i32
        %add3A_608 = arith.addi %mul3A_606, %add3A_607 : i32
        %get3A_609 = arith.index_cast %add3A_608 : i32 to index
        %get3A_610 = arith.constant 48 : index
        %get3A_611 = tpu.vector_load %arg9[%get3A_609, %get3A_610] {strides = array<i32>} : memref<128x64xf32, #tpu.memory_space<vmem>>, vector<1x16xf32>,
        %get3A_612 = vector.shape_cast %get3A_611 : vector<1x16xf32> to vector<16xf32>
        %mul3A_613 = arith.constant 2 : i32
        %mul3A_614 = arith.muli %mul3A_613, %add3A_450 : i32
        %add3A_615 = arith.constant 1 : i32
        %add3A_616 = arith.addi %mul3A_614, %add3A_615 : i32
        %get3A_617 = arith.index_cast %add3A_616 : i32 to index
        %get3A_618 = arith.constant 48 : index
        %get3A_619 = tpu.vector_load %arg10[%get3A_617, %get3A_618] {strides = array<i32>} : memref<128x64xf32, #tpu.memory_space<vmem>>, vector<1x16xf32>,
        %get3A_620 = vector.shape_cast %get3A_619 : vector<1x16xf32> to vector<16xf32>
        %add3A_621 = arith.addf %get3A_612, %get3A_620 : vector<16xf32>
        %swap3A_622 = arith.index_cast %add3A_450 : i32 to index
        %swap3A_623 = arith.constant 112 : index
        %swap3A_624 = tpu.vector_load %arg11[%swap3A_622, %swap3A_623] {strides = array<i32>} : memref<64x128xf32, #tpu.memory_space<vmem>>, vector<1x16xf32>,
        %swap3A_625 = vector.shape_cast %swap3A_624 : vector<1x16xf32> to vector<16xf32>
        %swap3A_626 = vector.shape_cast %add3A_621 : vector<16xf32> to vector<1x16xf32>
        tpu.vector_store %arg11[%swap3A_622, %swap3A_623], %swap3A_626 {strides = array<i32>} : memref<64x128xf32, #tpu.memory_space<vmem>>, vector<1x16xf32>,
        %scan3A_627 = arith.constant 3 : i32
        %scan3A_628 = arith.addi %scan3A_84, %scan3A_627 : i32
        %mul3A_629 = arith.constant 1 : i32
        %mul3A_630 = arith.muli %scan3A_628, %mul3A_629 : i32
        %add3A_631 = arith.constant 0 : i32
        %add3A_632 = arith.addi %add3A_631, %mul3A_630 : i32
        %mul3A_633 = arith.constant 2 : i32
        %mul3A_634 = arith.muli %mul3A_633, %add3A_632 : i32
        %add3A_635 = arith.constant 0 : i32
        %add3A_636 = arith.addi %mul3A_634, %add3A_635 : i32
        %get3A_637 = arith.index_cast %add3A_636 : i32 to index
        %get3A_638 = arith.constant 0 : index
        %get3A_639 = tpu.vector_load %arg9[%get3A_637, %get3A_638] {strides = array<i32>} : memref<128x64xf32, #tpu.memory_space<vmem>>, vector<1x16xf32>,
        %get3A_640 = vector.shape_cast %get3A_639 : vector<1x16xf32> to vector<16xf32>
        %mul3A_641 = arith.constant 2 : i32
        %mul3A_642 = arith.muli %mul3A_641, %add3A_632 : i32
        %add3A_643 = arith.constant 0 : i32
        %add3A_644 = arith.addi %mul3A_642, %add3A_643 : i32
        %get3A_645 = arith.index_cast %add3A_644 : i32 to index
        %get3A_646 = arith.constant 0 : index
        %get3A_647 = tpu.vector_load %arg10[%get3A_645, %get3A_646] {strides = array<i32>} : memref<128x64xf32, #tpu.memory_space<vmem>>, vector<1x16xf32>,
        %get3A_648 = vector.shape_cast %get3A_647 : vector<1x16xf32> to vector<16xf32>
        %add3A_649 = arith.addf %get3A_640, %get3A_648 : vector<16xf32>
        %swap3A_650 = arith.index_cast %add3A_632 : i32 to index
        %swap3A_651 = arith.constant 0 : index
        %swap3A_652 = tpu.vector_load %arg11[%swap3A_650, %swap3A_651] {strides = array<i32>} : memref<64x128xf32, #tpu.memory_space<vmem>>, vector<1x16xf32>,
        %swap3A_653 = vector.shape_cast %swap3A_652 : vector<1x16xf32> to vector<16xf32>
        %swap3A_654 = vector.shape_cast %add3A_649 : vector<16xf32> to vector<1x16xf32>
        tpu.vector_store %arg11[%swap3A_650, %swap3A_651], %swap3A_654 {strides = array<i32>} : memref<64x128xf32, #tpu.memory_space<vmem>>, vector<1x16xf32>,
        %mul3A_655 = arith.constant 2 : i32
        %mul3A_656 = arith.muli %mul3A_655, %add3A_632 : i32
        %add3A_657 = arith.constant 0 : i32
        %add3A_658 = arith.addi %mul3A_656, %add3A_657 : i32
        %get3A_659 = arith.index_cast %add3A_658 : i32 to index
        %get3A_660 = arith.constant 16 : index
        %get3A_661 = tpu.vector_load %arg9[%get3A_659, %get3A_660] {strides = array<i32>} : memref<128x64xf32, #tpu.memory_space<vmem>>, vector<1x16xf32>,
        %get3A_662 = vector.shape_cast %get3A_661 : vector<1x16xf32> to vector<16xf32>
        %mul3A_663 = arith.constant 2 : i32
        %mul3A_664 = arith.muli %mul3A_663, %add3A_632 : i32
        %add3A_665 = arith.constant 0 : i32
        %add3A_666 = arith.addi %mul3A_664, %add3A_665 : i32
        %get3A_667 = arith.index_cast %add3A_666 : i32 to index
        %get3A_668 = arith.constant 16 : index
        %get3A_669 = tpu.vector_load %arg10[%get3A_667, %get3A_668] {strides = array<i32>} : memref<128x64xf32, #tpu.memory_space<vmem>>, vector<1x16xf32>,
        %get3A_670 = vector.shape_cast %get3A_669 : vector<1x16xf32> to vector<16xf32>
        %add3A_671 = arith.addf %get3A_662, %get3A_670 : vector<16xf32>
        %swap3A_672 = arith.index_cast %add3A_632 : i32 to index
        %swap3A_673 = arith.constant 16 : index
        %swap3A_674 = tpu.vector_load %arg11[%swap3A_672, %swap3A_673] {strides = array<i32>} : memref<64x128xf32, #tpu.memory_space<vmem>>, vector<1x16xf32>,
        %swap3A_675 = vector.shape_cast %swap3A_674 : vector<1x16xf32> to vector<16xf32>
        %swap3A_676 = vector.shape_cast %add3A_671 : vector<16xf32> to vector<1x16xf32>
        tpu.vector_store %arg11[%swap3A_672, %swap3A_673], %swap3A_676 {strides = array<i32>} : memref<64x128xf32, #tpu.memory_space<vmem>>, vector<1x16xf32>,
        %mul3A_677 = arith.constant 2 : i32
        %mul3A_678 = arith.muli %mul3A_677, %add3A_632 : i32
        %add3A_679 = arith.constant 0 : i32
        %add3A_680 = arith.addi %mul3A_678, %add3A_679 : i32
        %get3A_681 = arith.index_cast %add3A_680 : i32 to index
        %get3A_682 = arith.constant 32 : index
        %get3A_683 = tpu.vector_load %arg9[%get3A_681, %get3A_682] {strides = array<i32>} : memref<128x64xf32, #tpu.memory_space<vmem>>, vector<1x16xf32>,
        %get3A_684 = vector.shape_cast %get3A_683 : vector<1x16xf32> to vector<16xf32>
        %mul3A_685 = arith.constant 2 : i32
        %mul3A_686 = arith.muli %mul3A_685, %add3A_632 : i32
        %add3A_687 = arith.constant 0 : i32
        %add3A_688 = arith.addi %mul3A_686, %add3A_687 : i32
        %get3A_689 = arith.index_cast %add3A_688 : i32 to index
        %get3A_690 = arith.constant 32 : index
        %get3A_691 = tpu.vector_load %arg10[%get3A_689, %get3A_690] {strides = array<i32>} : memref<128x64xf32, #tpu.memory_space<vmem>>, vector<1x16xf32>,
        %get3A_692 = vector.shape_cast %get3A_691 : vector<1x16xf32> to vector<16xf32>
        %add3A_693 = arith.addf %get3A_684, %get3A_692 : vector<16xf32>
        %swap3A_694 = arith.index_cast %add3A_632 : i32 to index
        %swap3A_695 = arith.constant 32 : index
        %swap3A_696 = tpu.vector_load %arg11[%swap3A_694, %swap3A_695] {strides = array<i32>} : memref<64x128xf32, #tpu.memory_space<vmem>>, vector<1x16xf32>,
        %swap3A_697 = vector.shape_cast %swap3A_696 : vector<1x16xf32> to vector<16xf32>
        %swap3A_698 = vector.shape_cast %add3A_693 : vector<16xf32> to vector<1x16xf32>
        tpu.vector_store %arg11[%swap3A_694, %swap3A_695], %swap3A_698 {strides = array<i32>} : memref<64x128xf32, #tpu.memory_space<vmem>>, vector<1x16xf32>,
        %mul3A_699 = arith.constant 2 : i32
        %mul3A_700 = arith.muli %mul3A_699, %add3A_632 : i32
        %add3A_701 = arith.constant 0 : i32
        %add3A_702 = arith.addi %mul3A_700, %add3A_701 : i32
        %get3A_703 = arith.index_cast %add3A_702 : i32 to index
        %get3A_704 = arith.constant 48 : index
        %get3A_705 = tpu.vector_load %arg9[%get3A_703, %get3A_704] {strides = array<i32>} : memref<128x64xf32, #tpu.memory_space<vmem>>, vector<1x16xf32>,
        %get3A_706 = vector.shape_cast %get3A_705 : vector<1x16xf32> to vector<16xf32>
        %mul3A_707 = arith.constant 2 : i32
        %mul3A_708 = arith.muli %mul3A_707, %add3A_632 : i32
        %add3A_709 = arith.constant 0 : i32
        %add3A_710 = arith.addi %mul3A_708, %add3A_709 : i32
        %get3A_711 = arith.index_cast %add3A_710 : i32 to index
        %get3A_712 = arith.constant 48 : index
        %get3A_713 = tpu.vector_load %arg10[%get3A_711, %get3A_712] {strides = array<i32>} : memref<128x64xf32, #tpu.memory_space<vmem>>, vector<1x16xf32>,
        %get3A_714 = vector.shape_cast %get3A_713 : vector<1x16xf32> to vector<16xf32>
        %add3A_715 = arith.addf %get3A_706, %get3A_714 : vector<16xf32>
        %swap3A_716 = arith.index_cast %add3A_632 : i32 to index
        %swap3A_717 = arith.constant 48 : index
        %swap3A_718 = tpu.vector_load %arg11[%swap3A_716, %swap3A_717] {strides = array<i32>} : memref<64x128xf32, #tpu.memory_space<vmem>>, vector<1x16xf32>,
        %swap3A_719 = vector.shape_cast %swap3A_718 : vector<1x16xf32> to vector<16xf32>
        %swap3A_720 = vector.shape_cast %add3A_715 : vector<16xf32> to vector<1x16xf32>
        tpu.vector_store %arg11[%swap3A_716, %swap3A_717], %swap3A_720 {strides = array<i32>} : memref<64x128xf32, #tpu.memory_space<vmem>>, vector<1x16xf32>,
        %mul3A_721 = arith.constant 2 : i32
        %mul3A_722 = arith.muli %mul3A_721, %add3A_632 : i32
        %add3A_723 = arith.constant 1 : i32
        %add3A_724 = arith.addi %mul3A_722, %add3A_723 : i32
        %get3A_725 = arith.index_cast %add3A_724 : i32 to index
        %get3A_726 = arith.constant 0 : index
        %get3A_727 = tpu.vector_load %arg9[%get3A_725, %get3A_726] {strides = array<i32>} : memref<128x64xf32, #tpu.memory_space<vmem>>, vector<1x16xf32>,
        %get3A_728 = vector.shape_cast %get3A_727 : vector<1x16xf32> to vector<16xf32>
        %mul3A_729 = arith.constant 2 : i32
        %mul3A_730 = arith.muli %mul3A_729, %add3A_632 : i32
        %add3A_731 = arith.constant 1 : i32
        %add3A_732 = arith.addi %mul3A_730, %add3A_731 : i32
        %get3A_733 = arith.index_cast %add3A_732 : i32 to index
        %get3A_734 = arith.constant 0 : index
        %get3A_735 = tpu.vector_load %arg10[%get3A_733, %get3A_734] {strides = array<i32>} : memref<128x64xf32, #tpu.memory_space<vmem>>, vector<1x16xf32>,
        %get3A_736 = vector.shape_cast %get3A_735 : vector<1x16xf32> to vector<16xf32>
        %add3A_737 = arith.addf %get3A_728, %get3A_736 : vector<16xf32>
        %swap3A_738 = arith.index_cast %add3A_632 : i32 to index
        %swap3A_739 = arith.constant 64 : index
        %swap3A_740 = tpu.vector_load %arg11[%swap3A_738, %swap3A_739] {strides = array<i32>} : memref<64x128xf32, #tpu.memory_space<vmem>>, vector<1x16xf32>,
        %swap3A_741 = vector.shape_cast %swap3A_740 : vector<1x16xf32> to vector<16xf32>
        %swap3A_742 = vector.shape_cast %add3A_737 : vector<16xf32> to vector<1x16xf32>
        tpu.vector_store %arg11[%swap3A_738, %swap3A_739], %swap3A_742 {strides = array<i32>} : memref<64x128xf32, #tpu.memory_space<vmem>>, vector<1x16xf32>,
        %mul3A_743 = arith.constant 2 : i32
        %mul3A_744 = arith.muli %mul3A_743, %add3A_632 : i32
        %add3A_745 = arith.constant 1 : i32
        %add3A_746 = arith.addi %mul3A_744, %add3A_745 : i32
        %get3A_747 = arith.index_cast %add3A_746 : i32 to index
        %get3A_748 = arith.constant 16 : index
        %get3A_749 = tpu.vector_load %arg9[%get3A_747, %get3A_748] {strides = array<i32>} : memref<128x64xf32, #tpu.memory_space<vmem>>, vector<1x16xf32>,
        %get3A_750 = vector.shape_cast %get3A_749 : vector<1x16xf32> to vector<16xf32>
        %mul3A_751 = arith.constant 2 : i32
        %mul3A_752 = arith.muli %mul3A_751, %add3A_632 : i32
        %add3A_753 = arith.constant 1 : i32
        %add3A_754 = arith.addi %mul3A_752, %add3A_753 : i32
        %get3A_755 = arith.index_cast %add3A_754 : i32 to index
        %get3A_756 = arith.constant 16 : index
        %get3A_757 = tpu.vector_load %arg10[%get3A_755, %get3A_756] {strides = array<i32>} : memref<128x64xf32, #tpu.memory_space<vmem>>, vector<1x16xf32>,
        %get3A_758 = vector.shape_cast %get3A_757 : vector<1x16xf32> to vector<16xf32>
        %add3A_759 = arith.addf %get3A_750, %get3A_758 : vector<16xf32>
        %swap3A_760 = arith.index_cast %add3A_632 : i32 to index
        %swap3A_761 = arith.constant 80 : index
        %swap3A_762 = tpu.vector_load %arg11[%swap3A_760, %swap3A_761] {strides = array<i32>} : memref<64x128xf32, #tpu.memory_space<vmem>>, vector<1x16xf32>,
        %swap3A_763 = vector.shape_cast %swap3A_762 : vector<1x16xf32> to vector<16xf32>
        %swap3A_764 = vector.shape_cast %add3A_759 : vector<16xf32> to vector<1x16xf32>
        tpu.vector_store %arg11[%swap3A_760, %swap3A_761], %swap3A_764 {strides = array<i32>} : memref<64x128xf32, #tpu.memory_space<vmem>>, vector<1x16xf32>,
        %mul3A_765 = arith.constant 2 : i32
        %mul3A_766 = arith.muli %mul3A_765, %add3A_632 : i32
        %add3A_767 = arith.constant 1 : i32
        %add3A_768 = arith.addi %mul3A_766, %add3A_767 : i32
        %get3A_769 = arith.index_cast %add3A_768 : i32 to index
        %get3A_770 = arith.constant 32 : index
        %get3A_771 = tpu.vector_load %arg9[%get3A_769, %get3A_770] {strides = array<i32>} : memref<128x64xf32, #tpu.memory_space<vmem>>, vector<1x16xf32>,
        %get3A_772 = vector.shape_cast %get3A_771 : vector<1x16xf32> to vector<16xf32>
        %mul3A_773 = arith.constant 2 : i32
        %mul3A_774 = arith.muli %mul3A_773, %add3A_632 : i32
        %add3A_775 = arith.constant 1 : i32
        %add3A_776 = arith.addi %mul3A_774, %add3A_775 : i32
        %get3A_777 = arith.index_cast %add3A_776 : i32 to index
        %get3A_778 = arith.constant 32 : index
        %get3A_779 = tpu.vector_load %arg10[%get3A_777, %get3A_778] {strides = array<i32>} : memref<128x64xf32, #tpu.memory_space<vmem>>, vector<1x16xf32>,
        %get3A_780 = vector.shape_cast %get3A_779 : vector<1x16xf32> to vector<16xf32>
        %add3A_781 = arith.addf %get3A_772, %get3A_780 : vector<16xf32>
        %swap3A_782 = arith.index_cast %add3A_632 : i32 to index
        %swap3A_783 = arith.constant 96 : index
        %swap3A_784 = tpu.vector_load %arg11[%swap3A_782, %swap3A_783] {strides = array<i32>} : memref<64x128xf32, #tpu.memory_space<vmem>>, vector<1x16xf32>,
        %swap3A_785 = vector.shape_cast %swap3A_784 : vector<1x16xf32> to vector<16xf32>
        %swap3A_786 = vector.shape_cast %add3A_781 : vector<16xf32> to vector<1x16xf32>
        tpu.vector_store %arg11[%swap3A_782, %swap3A_783], %swap3A_786 {strides = array<i32>} : memref<64x128xf32, #tpu.memory_space<vmem>>, vector<1x16xf32>,
        %mul3A_787 = arith.constant 2 : i32
        %mul3A_788 = arith.muli %mul3A_787, %add3A_632 : i32
        %add3A_789 = arith.constant 1 : i32
        %add3A_790 = arith.addi %mul3A_788, %add3A_789 : i32
        %get3A_791 = arith.index_cast %add3A_790 : i32 to index
        %get3A_792 = arith.constant 48 : index
        %get3A_793 = tpu.vector_load %arg9[%get3A_791, %get3A_792] {strides = array<i32>} : memref<128x64xf32, #tpu.memory_space<vmem>>, vector<1x16xf32>,
        %get3A_794 = vector.shape_cast %get3A_793 : vector<1x16xf32> to vector<16xf32>
        %mul3A_795 = arith.constant 2 : i32
        %mul3A_796 = arith.muli %mul3A_795, %add3A_632 : i32
        %add3A_797 = arith.constant 1 : i32
        %add3A_798 = arith.addi %mul3A_796, %add3A_797 : i32
        %get3A_799 = arith.index_cast %add3A_798 : i32 to index
        %get3A_800 = arith.constant 48 : index
        %get3A_801 = tpu.vector_load %arg10[%get3A_799, %get3A_800] {strides = array<i32>} : memref<128x64xf32, #tpu.memory_space<vmem>>, vector<1x16xf32>,
        %get3A_802 = vector.shape_cast %get3A_801 : vector<1x16xf32> to vector<16xf32>
        %add3A_803 = arith.addf %get3A_794, %get3A_802 : vector<16xf32>
        %swap3A_804 = arith.index_cast %add3A_632 : i32 to index
        %swap3A_805 = arith.constant 112 : index
        %swap3A_806 = tpu.vector_load %arg11[%swap3A_804, %swap3A_805] {strides = array<i32>} : memref<64x128xf32, #tpu.memory_space<vmem>>, vector<1x16xf32>,
        %swap3A_807 = vector.shape_cast %swap3A_806 : vector<1x16xf32> to vector<16xf32>
        %swap3A_808 = vector.shape_cast %add3A_803 : vector<16xf32> to vector<1x16xf32>
        tpu.vector_store %arg11[%swap3A_804, %swap3A_805], %swap3A_808 {strides = array<i32>} : memref<64x128xf32, #tpu.memory_space<vmem>>, vector<1x16xf32>,
      }
      %scan3A_54 = arith.constant 64 : i32
      %add3A_55 = arith.addi %mul3A_2, %add3A_24 : i32
      %mul3A_56 = arith.constant 64 : i32
      %mul3A_57 = arith.muli %add3A_55, %mul3A_56 : i32
      "tpu.region"() ({
        %run_scoped3A = tpu.sem_alloc : memref<!tpu.dma_semaphore, #tpu.memory_space<semaphore_mem>>
        %dma_start3A_84 = arith.constant 0 : i32
        %dma_start3A_85 = tpu.memref_slice %arg6[%mul3A_57, %dma_start3A_84] : memref<20480x128xf32, #tpu.memory_space<hbm>> -> memref<64x128xf32, #tpu.memory_space<hbm>>
        %dma_start3A_86 = arith.constant 0 : i32
        %dma_start3A_87 = tpu.memref_slice %arg6[%mul3A_57, %dma_start3A_86] : memref<20480x128xf32, #tpu.memory_space<hbm>> -> memref<64x128xf32, #tpu.memory_space<hbm>>
        tpu.enqueue_dma source(%arg11 : memref<64x128xf32, #tpu.memory_space<vmem>>) target(%dma_start3A_87 : memref<64x128xf32, #tpu.memory_space<hbm>>) target_semaphore(%run_scoped3A : memref<!tpu.dma_semaphore, #tpu.memory_space<semaphore_mem>>)
        %dma_wait3A_88 = arith.constant 0 : i32
        %dma_wait3A_89 = tpu.memref_slice %arg6[%mul3A_57, %dma_wait3A_88] : memref<20480x128xf32, #tpu.memory_space<hbm>> -> memref<64x128xf32, #tpu.memory_space<hbm>>
        %dma_wait3A_90 = arith.constant 0 : i32
        %dma_wait3A_91 = tpu.memref_slice %arg6[%mul3A_57, %dma_wait3A_90] : memref<20480x128xf32, #tpu.memory_space<hbm>> -> memref<64x128xf32, #tpu.memory_space<hbm>>
        tpu.wait_dma2 semaphore(%run_scoped3A : memref<!tpu.dma_semaphore, #tpu.memory_space<semaphore_mem>>) src(%arg11 : memref<64x128xf32, #tpu.memory_space<vmem>>) dst(%dma_wait3A_91 : memref<64x128xf32, #tpu.memory_space<hbm>>)
        tpu.yield
      }) : () -> ()
      %add3A_58 = arith.constant 2 : i32
      %add3A_59 = arith.addi %add3A_24, %add3A_58 : i32
      %lt3A = arith.constant 10 : i32
      %lt3A_60 = arith.cmpi slt, %add3A_59, %lt3A : i32
      %convert_element_type3A = arith.extui %lt3A_60 : i1 to i32
      %cond3A = arith.constant 0 : i32
      %cond3A_61 = arith.cmpi ne, %convert_element_type3A, %cond3A : i32
      scf.if %cond3A_61 {
        %add3A_84 = arith.constant 2 : i32
        %add3A_85 = arith.addi %add3A_24, %add3A_84 : i32
        %dma_start3A_86 = arith.constant 0 : i32
        %dma_start3A_87 = tpu.memref_slice %arg7[%add3A_85, %dma_start3A_86] : memref<10x128xi32, #tpu.memory_space<vmem>> -> memref<1x128xi32, #tpu.memory_space<vmem>>
        %dma_start3A_88 = tpu.memref_squeeze %dma_start3A_87 : memref<1x128xi32, #tpu.memory_space<vmem>> -> memref<128xi32, #tpu.memory_space<vmem>>
        %dma_start3A_89 = arith.constant 0 : i32
        %dma_start3A_90 = arith.constant 0 : i32
        %dma_start3A_91 = tpu.memref_slice %arg2[%dma_start3A_89, %dma_start3A_90] : memref<10016x64xf32, #tpu.memory_space<hbm>> -> memref<10016x64xf32, #tpu.memory_space<hbm>>
        tpu.enqueue_indirect_dma source(%dma_start3A_91 : memref<10016x64xf32, #tpu.memory_space<hbm>>) target(%arg9 : memref<128x64xf32, #tpu.memory_space<vmem>>) offsets(%dma_start3A_88 : memref<128xi32, #tpu.memory_space<vmem>>) semaphore(%arg15 : memref<!tpu.dma_semaphore, #tpu.memory_space<semaphore_mem>>)
        %dma_start3A_92 = arith.constant 0 : i32
        %dma_start3A_93 = tpu.memref_slice %arg8[%add3A_85, %dma_start3A_92] : memref<10x128xi32, #tpu.memory_space<vmem>> -> memref<1x128xi32, #tpu.memory_space<vmem>>
        %dma_start3A_94 = tpu.memref_squeeze %dma_start3A_93 : memref<1x128xi32, #tpu.memory_space<vmem>> -> memref<128xi32, #tpu.memory_space<vmem>>
        %dma_start3A_95 = arith.constant 0 : i32
        %dma_start3A_96 = arith.constant 0 : i32
        %dma_start3A_97 = tpu.memref_slice %arg3[%dma_start3A_95, %dma_start3A_96] : memref<2000x64xf32, #tpu.memory_space<hbm>> -> memref<2000x64xf32, #tpu.memory_space<hbm>>
        tpu.enqueue_indirect_dma source(%dma_start3A_97 : memref<2000x64xf32, #tpu.memory_space<hbm>>) target(%arg10 : memref<128x64xf32, #tpu.memory_space<vmem>>) offsets(%dma_start3A_94 : memref<128xi32, #tpu.memory_space<vmem>>) semaphore(%arg15 : memref<!tpu.dma_semaphore, #tpu.memory_space<semaphore_mem>>)
      } else {
      }
      %add3A_62 = arith.constant 1 : i32
      %add3A_63 = arith.addi %add3A_24, %add3A_62 : i32
      %dma_wait3A_64 = arith.constant 0 : i32
      %dma_wait3A_65 = tpu.memref_slice %arg7[%add3A_63, %dma_wait3A_64] : memref<10x128xi32, #tpu.memory_space<vmem>> -> memref<1x128xi32, #tpu.memory_space<vmem>>
      %dma_wait3A_66 = tpu.memref_squeeze %dma_wait3A_65 : memref<1x128xi32, #tpu.memory_space<vmem>> -> memref<128xi32, #tpu.memory_space<vmem>>
      %dma_wait3A_67 = arith.constant 0 : i32
      %dma_wait3A_68 = arith.constant 0 : i32
      %dma_wait3A_69 = tpu.memref_slice %arg2[%dma_wait3A_67, %dma_wait3A_68] : memref<10016x64xf32, #tpu.memory_space<hbm>> -> memref<10016x64xf32, #tpu.memory_space<hbm>>
      tpu.wait_indirect_dma semaphore(%arg16 : memref<!tpu.dma_semaphore, #tpu.memory_space<semaphore_mem>>) src(%dma_wait3A_69 : memref<10016x64xf32, #tpu.memory_space<hbm>>) dst(%arg12 : memref<128x64xf32, #tpu.memory_space<vmem>>)
      %dma_wait3A_70 = arith.constant 0 : i32
      %dma_wait3A_71 = tpu.memref_slice %arg8[%add3A_63, %dma_wait3A_70] : memref<10x128xi32, #tpu.memory_space<vmem>> -> memref<1x128xi32, #tpu.memory_space<vmem>>
      %dma_wait3A_72 = tpu.memref_squeeze %dma_wait3A_71 : memref<1x128xi32, #tpu.memory_space<vmem>> -> memref<128xi32, #tpu.memory_space<vmem>>
      %dma_wait3A_73 = arith.constant 0 : i32
      %dma_wait3A_74 = arith.constant 0 : i32
      %dma_wait3A_75 = tpu.memref_slice %arg3[%dma_wait3A_73, %dma_wait3A_74] : memref<2000x64xf32, #tpu.memory_space<hbm>> -> memref<2000x64xf32, #tpu.memory_space<hbm>>
      tpu.wait_indirect_dma semaphore(%arg16 : memref<!tpu.dma_semaphore, #tpu.memory_space<semaphore_mem>>) src(%dma_wait3A_75 : memref<2000x64xf32, #tpu.memory_space<hbm>>) dst(%arg13 : memref<128x64xf32, #tpu.memory_space<vmem>>)
      %scan3A_76 = arith.constant 0 : i32
      %scan3A_77 = arith.constant 64 : i32
      %scan3A_78 = arith.addi %scan3A_76, %scan3A_77 : i32
      %scan3A_79 = arith.constant 4 : i32
      scf.for %scan3A_84 = %scan3A_76 to %scan3A_78 step %scan3A_79  : i32 {
        %mul3A_85 = arith.constant 1 : i32
        %mul3A_86 = arith.muli %scan3A_84, %mul3A_85 : i32
        %add3A_87 = arith.constant 0 : i32
        %add3A_88 = arith.addi %add3A_87, %mul3A_86 : i32
        %mul3A_89 = arith.constant 2 : i32
        %mul3A_90 = arith.muli %mul3A_89, %add3A_88 : i32
        %add3A_91 = arith.constant 0 : i32
        %add3A_92 = arith.addi %mul3A_90, %add3A_91 : i32
        %get3A = arith.index_cast %add3A_92 : i32 to index
        %get3A_93 = arith.constant 0 : index
        %get3A_94 = tpu.vector_load %arg12[%get3A, %get3A_93] {strides = array<i32>} : memref<128x64xf32, #tpu.memory_space<vmem>>, vector<1x16xf32>,
        %get3A_95 = vector.shape_cast %get3A_94 : vector<1x16xf32> to vector<16xf32>
        %mul3A_96 = arith.constant 2 : i32
        %mul3A_97 = arith.muli %mul3A_96, %add3A_88 : i32
        %add3A_98 = arith.constant 0 : i32
        %add3A_99 = arith.addi %mul3A_97, %add3A_98 : i32
        %get3A_100 = arith.index_cast %add3A_99 : i32 to index
        %get3A_101 = arith.constant 0 : index
        %get3A_102 = tpu.vector_load %arg13[%get3A_100, %get3A_101] {strides = array<i32>} : memref<128x64xf32, #tpu.memory_space<vmem>>, vector<1x16xf32>,
        %get3A_103 = vector.shape_cast %get3A_102 : vector<1x16xf32> to vector<16xf32>
        %add3A_104 = arith.addf %get3A_95, %get3A_103 : vector<16xf32>
        %swap3A = arith.index_cast %add3A_88 : i32 to index
        %swap3A_105 = arith.constant 0 : index
        %swap3A_106 = tpu.vector_load %arg14[%swap3A, %swap3A_105] {strides = array<i32>} : memref<64x128xf32, #tpu.memory_space<vmem>>, vector<1x16xf32>,
        %swap3A_107 = vector.shape_cast %swap3A_106 : vector<1x16xf32> to vector<16xf32>
        %swap3A_108 = vector.shape_cast %add3A_104 : vector<16xf32> to vector<1x16xf32>
        tpu.vector_store %arg14[%swap3A, %swap3A_105], %swap3A_108 {strides = array<i32>} : memref<64x128xf32, #tpu.memory_space<vmem>>, vector<1x16xf32>,
        %mul3A_109 = arith.constant 2 : i32
        %mul3A_110 = arith.muli %mul3A_109, %add3A_88 : i32
        %add3A_111 = arith.constant 0 : i32
        %add3A_112 = arith.addi %mul3A_110, %add3A_111 : i32
        %get3A_113 = arith.index_cast %add3A_112 : i32 to index
        %get3A_114 = arith.constant 16 : index
        %get3A_115 = tpu.vector_load %arg12[%get3A_113, %get3A_114] {strides = array<i32>} : memref<128x64xf32, #tpu.memory_space<vmem>>, vector<1x16xf32>,
        %get3A_116 = vector.shape_cast %get3A_115 : vector<1x16xf32> to vector<16xf32>
        %mul3A_117 = arith.constant 2 : i32
        %mul3A_118 = arith.muli %mul3A_117, %add3A_88 : i32
        %add3A_119 = arith.constant 0 : i32
        %add3A_120 = arith.addi %mul3A_118, %add3A_119 : i32
        %get3A_121 = arith.index_cast %add3A_120 : i32 to index
        %get3A_122 = arith.constant 16 : index
        %get3A_123 = tpu.vector_load %arg13[%get3A_121, %get3A_122] {strides = array<i32>} : memref<128x64xf32, #tpu.memory_space<vmem>>, vector<1x16xf32>,
        %get3A_124 = vector.shape_cast %get3A_123 : vector<1x16xf32> to vector<16xf32>
        %add3A_125 = arith.addf %get3A_116, %get3A_124 : vector<16xf32>
        %swap3A_126 = arith.index_cast %add3A_88 : i32 to index
        %swap3A_127 = arith.constant 16 : index
        %swap3A_128 = tpu.vector_load %arg14[%swap3A_126, %swap3A_127] {strides = array<i32>} : memref<64x128xf32, #tpu.memory_space<vmem>>, vector<1x16xf32>,
        %swap3A_129 = vector.shape_cast %swap3A_128 : vector<1x16xf32> to vector<16xf32>
        %swap3A_130 = vector.shape_cast %add3A_125 : vector<16xf32> to vector<1x16xf32>
        tpu.vector_store %arg14[%swap3A_126, %swap3A_127], %swap3A_130 {strides = array<i32>} : memref<64x128xf32, #tpu.memory_space<vmem>>, vector<1x16xf32>,
        %mul3A_131 = arith.constant 2 : i32
        %mul3A_132 = arith.muli %mul3A_131, %add3A_88 : i32
        %add3A_133 = arith.constant 0 : i32
        %add3A_134 = arith.addi %mul3A_132, %add3A_133 : i32
        %get3A_135 = arith.index_cast %add3A_134 : i32 to index
        %get3A_136 = arith.constant 32 : index
        %get3A_137 = tpu.vector_load %arg12[%get3A_135, %get3A_136] {strides = array<i32>} : memref<128x64xf32, #tpu.memory_space<vmem>>, vector<1x16xf32>,
        %get3A_138 = vector.shape_cast %get3A_137 : vector<1x16xf32> to vector<16xf32>
        %mul3A_139 = arith.constant 2 : i32
        %mul3A_140 = arith.muli %mul3A_139, %add3A_88 : i32
        %add3A_141 = arith.constant 0 : i32
        %add3A_142 = arith.addi %mul3A_140, %add3A_141 : i32
        %get3A_143 = arith.index_cast %add3A_142 : i32 to index
        %get3A_144 = arith.constant 32 : index
        %get3A_145 = tpu.vector_load %arg13[%get3A_143, %get3A_144] {strides = array<i32>} : memref<128x64xf32, #tpu.memory_space<vmem>>, vector<1x16xf32>,
        %get3A_146 = vector.shape_cast %get3A_145 : vector<1x16xf32> to vector<16xf32>
        %add3A_147 = arith.addf %get3A_138, %get3A_146 : vector<16xf32>
        %swap3A_148 = arith.index_cast %add3A_88 : i32 to index
        %swap3A_149 = arith.constant 32 : index
        %swap3A_150 = tpu.vector_load %arg14[%swap3A_148, %swap3A_149] {strides = array<i32>} : memref<64x128xf32, #tpu.memory_space<vmem>>, vector<1x16xf32>,
        %swap3A_151 = vector.shape_cast %swap3A_150 : vector<1x16xf32> to vector<16xf32>
        %swap3A_152 = vector.shape_cast %add3A_147 : vector<16xf32> to vector<1x16xf32>
        tpu.vector_store %arg14[%swap3A_148, %swap3A_149], %swap3A_152 {strides = array<i32>} : memref<64x128xf32, #tpu.memory_space<vmem>>, vector<1x16xf32>,
        %mul3A_153 = arith.constant 2 : i32
        %mul3A_154 = arith.muli %mul3A_153, %add3A_88 : i32
        %add3A_155 = arith.constant 0 : i32
        %add3A_156 = arith.addi %mul3A_154, %add3A_155 : i32
        %get3A_157 = arith.index_cast %add3A_156 : i32 to index
        %get3A_158 = arith.constant 48 : index
        %get3A_159 = tpu.vector_load %arg12[%get3A_157, %get3A_158] {strides = array<i32>} : memref<128x64xf32, #tpu.memory_space<vmem>>, vector<1x16xf32>,
        %get3A_160 = vector.shape_cast %get3A_159 : vector<1x16xf32> to vector<16xf32>
        %mul3A_161 = arith.constant 2 : i32
        %mul3A_162 = arith.muli %mul3A_161, %add3A_88 : i32
        %add3A_163 = arith.constant 0 : i32
        %add3A_164 = arith.addi %mul3A_162, %add3A_163 : i32
        %get3A_165 = arith.index_cast %add3A_164 : i32 to index
        %get3A_166 = arith.constant 48 : index
        %get3A_167 = tpu.vector_load %arg13[%get3A_165, %get3A_166] {strides = array<i32>} : memref<128x64xf32, #tpu.memory_space<vmem>>, vector<1x16xf32>,
        %get3A_168 = vector.shape_cast %get3A_167 : vector<1x16xf32> to vector<16xf32>
        %add3A_169 = arith.addf %get3A_160, %get3A_168 : vector<16xf32>
        %swap3A_170 = arith.index_cast %add3A_88 : i32 to index
        %swap3A_171 = arith.constant 48 : index
        %swap3A_172 = tpu.vector_load %arg14[%swap3A_170, %swap3A_171] {strides = array<i32>} : memref<64x128xf32, #tpu.memory_space<vmem>>, vector<1x16xf32>,
        %swap3A_173 = vector.shape_cast %swap3A_172 : vector<1x16xf32> to vector<16xf32>
        %swap3A_174 = vector.shape_cast %add3A_169 : vector<16xf32> to vector<1x16xf32>
        tpu.vector_store %arg14[%swap3A_170, %swap3A_171], %swap3A_174 {strides = array<i32>} : memref<64x128xf32, #tpu.memory_space<vmem>>, vector<1x16xf32>,
        %mul3A_175 = arith.constant 2 : i32
        %mul3A_176 = arith.muli %mul3A_175, %add3A_88 : i32
        %add3A_177 = arith.constant 1 : i32
        %add3A_178 = arith.addi %mul3A_176, %add3A_177 : i32
        %get3A_179 = arith.index_cast %add3A_178 : i32 to index
        %get3A_180 = arith.constant 0 : index
        %get3A_181 = tpu.vector_load %arg12[%get3A_179, %get3A_180] {strides = array<i32>} : memref<128x64xf32, #tpu.memory_space<vmem>>, vector<1x16xf32>,
        %get3A_182 = vector.shape_cast %get3A_181 : vector<1x16xf32> to vector<16xf32>
        %mul3A_183 = arith.constant 2 : i32
        %mul3A_184 = arith.muli %mul3A_183, %add3A_88 : i32
        %add3A_185 = arith.constant 1 : i32
        %add3A_186 = arith.addi %mul3A_184, %add3A_185 : i32
        %get3A_187 = arith.index_cast %add3A_186 : i32 to index
        %get3A_188 = arith.constant 0 : index
        %get3A_189 = tpu.vector_load %arg13[%get3A_187, %get3A_188] {strides = array<i32>} : memref<128x64xf32, #tpu.memory_space<vmem>>, vector<1x16xf32>,
        %get3A_190 = vector.shape_cast %get3A_189 : vector<1x16xf32> to vector<16xf32>
        %add3A_191 = arith.addf %get3A_182, %get3A_190 : vector<16xf32>
        %swap3A_192 = arith.index_cast %add3A_88 : i32 to index
        %swap3A_193 = arith.constant 64 : index
        %swap3A_194 = tpu.vector_load %arg14[%swap3A_192, %swap3A_193] {strides = array<i32>} : memref<64x128xf32, #tpu.memory_space<vmem>>, vector<1x16xf32>,
        %swap3A_195 = vector.shape_cast %swap3A_194 : vector<1x16xf32> to vector<16xf32>
        %swap3A_196 = vector.shape_cast %add3A_191 : vector<16xf32> to vector<1x16xf32>
        tpu.vector_store %arg14[%swap3A_192, %swap3A_193], %swap3A_196 {strides = array<i32>} : memref<64x128xf32, #tpu.memory_space<vmem>>, vector<1x16xf32>,
        %mul3A_197 = arith.constant 2 : i32
        %mul3A_198 = arith.muli %mul3A_197, %add3A_88 : i32
        %add3A_199 = arith.constant 1 : i32
        %add3A_200 = arith.addi %mul3A_198, %add3A_199 : i32
        %get3A_201 = arith.index_cast %add3A_200 : i32 to index
        %get3A_202 = arith.constant 16 : index
        %get3A_203 = tpu.vector_load %arg12[%get3A_201, %get3A_202] {strides = array<i32>} : memref<128x64xf32, #tpu.memory_space<vmem>>, vector<1x16xf32>,
        %get3A_204 = vector.shape_cast %get3A_203 : vector<1x16xf32> to vector<16xf32>
        %mul3A_205 = arith.constant 2 : i32
        %mul3A_206 = arith.muli %mul3A_205, %add3A_88 : i32
        %add3A_207 = arith.constant 1 : i32
        %add3A_208 = arith.addi %mul3A_206, %add3A_207 : i32
        %get3A_209 = arith.index_cast %add3A_208 : i32 to index
        %get3A_210 = arith.constant 16 : index
        %get3A_211 = tpu.vector_load %arg13[%get3A_209, %get3A_210] {strides = array<i32>} : memref<128x64xf32, #tpu.memory_space<vmem>>, vector<1x16xf32>,
        %get3A_212 = vector.shape_cast %get3A_211 : vector<1x16xf32> to vector<16xf32>
        %add3A_213 = arith.addf %get3A_204, %get3A_212 : vector<16xf32>
        %swap3A_214 = arith.index_cast %add3A_88 : i32 to index
        %swap3A_215 = arith.constant 80 : index
        %swap3A_216 = tpu.vector_load %arg14[%swap3A_214, %swap3A_215] {strides = array<i32>} : memref<64x128xf32, #tpu.memory_space<vmem>>, vector<1x16xf32>,
        %swap3A_217 = vector.shape_cast %swap3A_216 : vector<1x16xf32> to vector<16xf32>
        %swap3A_218 = vector.shape_cast %add3A_213 : vector<16xf32> to vector<1x16xf32>
        tpu.vector_store %arg14[%swap3A_214, %swap3A_215], %swap3A_218 {strides = array<i32>} : memref<64x128xf32, #tpu.memory_space<vmem>>, vector<1x16xf32>,
        %mul3A_219 = arith.constant 2 : i32
        %mul3A_220 = arith.muli %mul3A_219, %add3A_88 : i32
        %add3A_221 = arith.constant 1 : i32
        %add3A_222 = arith.addi %mul3A_220, %add3A_221 : i32
        %get3A_223 = arith.index_cast %add3A_222 : i32 to index
        %get3A_224 = arith.constant 32 : index
        %get3A_225 = tpu.vector_load %arg12[%get3A_223, %get3A_224] {strides = array<i32>} : memref<128x64xf32, #tpu.memory_space<vmem>>, vector<1x16xf32>,
        %get3A_226 = vector.shape_cast %get3A_225 : vector<1x16xf32> to vector<16xf32>
        %mul3A_227 = arith.constant 2 : i32
        %mul3A_228 = arith.muli %mul3A_227, %add3A_88 : i32
        %add3A_229 = arith.constant 1 : i32
        %add3A_230 = arith.addi %mul3A_228, %add3A_229 : i32
        %get3A_231 = arith.index_cast %add3A_230 : i32 to index
        %get3A_232 = arith.constant 32 : index
        %get3A_233 = tpu.vector_load %arg13[%get3A_231, %get3A_232] {strides = array<i32>} : memref<128x64xf32, #tpu.memory_space<vmem>>, vector<1x16xf32>,
        %get3A_234 = vector.shape_cast %get3A_233 : vector<1x16xf32> to vector<16xf32>
        %add3A_235 = arith.addf %get3A_226, %get3A_234 : vector<16xf32>
        %swap3A_236 = arith.index_cast %add3A_88 : i32 to index
        %swap3A_237 = arith.constant 96 : index
        %swap3A_238 = tpu.vector_load %arg14[%swap3A_236, %swap3A_237] {strides = array<i32>} : memref<64x128xf32, #tpu.memory_space<vmem>>, vector<1x16xf32>,
        %swap3A_239 = vector.shape_cast %swap3A_238 : vector<1x16xf32> to vector<16xf32>
        %swap3A_240 = vector.shape_cast %add3A_235 : vector<16xf32> to vector<1x16xf32>
        tpu.vector_store %arg14[%swap3A_236, %swap3A_237], %swap3A_240 {strides = array<i32>} : memref<64x128xf32, #tpu.memory_space<vmem>>, vector<1x16xf32>,
        %mul3A_241 = arith.constant 2 : i32
        %mul3A_242 = arith.muli %mul3A_241, %add3A_88 : i32
        %add3A_243 = arith.constant 1 : i32
        %add3A_244 = arith.addi %mul3A_242, %add3A_243 : i32
        %get3A_245 = arith.index_cast %add3A_244 : i32 to index
        %get3A_246 = arith.constant 48 : index
        %get3A_247 = tpu.vector_load %arg12[%get3A_245, %get3A_246] {strides = array<i32>} : memref<128x64xf32, #tpu.memory_space<vmem>>, vector<1x16xf32>,
        %get3A_248 = vector.shape_cast %get3A_247 : vector<1x16xf32> to vector<16xf32>
        %mul3A_249 = arith.constant 2 : i32
        %mul3A_250 = arith.muli %mul3A_249, %add3A_88 : i32
        %add3A_251 = arith.constant 1 : i32
        %add3A_252 = arith.addi %mul3A_250, %add3A_251 : i32
        %get3A_253 = arith.index_cast %add3A_252 : i32 to index
        %get3A_254 = arith.constant 48 : index
        %get3A_255 = tpu.vector_load %arg13[%get3A_253, %get3A_254] {strides = array<i32>} : memref<128x64xf32, #tpu.memory_space<vmem>>, vector<1x16xf32>,
        %get3A_256 = vector.shape_cast %get3A_255 : vector<1x16xf32> to vector<16xf32>
        %add3A_257 = arith.addf %get3A_248, %get3A_256 : vector<16xf32>
        %swap3A_258 = arith.index_cast %add3A_88 : i32 to index
        %swap3A_259 = arith.constant 112 : index
        %swap3A_260 = tpu.vector_load %arg14[%swap3A_258, %swap3A_259] {strides = array<i32>} : memref<64x128xf32, #tpu.memory_space<vmem>>, vector<1x16xf32>,
        %swap3A_261 = vector.shape_cast %swap3A_260 : vector<1x16xf32> to vector<16xf32>
        %swap3A_262 = vector.shape_cast %add3A_257 : vector<16xf32> to vector<1x16xf32>
        tpu.vector_store %arg14[%swap3A_258, %swap3A_259], %swap3A_262 {strides = array<i32>} : memref<64x128xf32, #tpu.memory_space<vmem>>, vector<1x16xf32>,
        %scan3A_263 = arith.constant 1 : i32
        %scan3A_264 = arith.addi %scan3A_84, %scan3A_263 : i32
        %mul3A_265 = arith.constant 1 : i32
        %mul3A_266 = arith.muli %scan3A_264, %mul3A_265 : i32
        %add3A_267 = arith.constant 0 : i32
        %add3A_268 = arith.addi %add3A_267, %mul3A_266 : i32
        %mul3A_269 = arith.constant 2 : i32
        %mul3A_270 = arith.muli %mul3A_269, %add3A_268 : i32
        %add3A_271 = arith.constant 0 : i32
        %add3A_272 = arith.addi %mul3A_270, %add3A_271 : i32
        %get3A_273 = arith.index_cast %add3A_272 : i32 to index
        %get3A_274 = arith.constant 0 : index
        %get3A_275 = tpu.vector_load %arg12[%get3A_273, %get3A_274] {strides = array<i32>} : memref<128x64xf32, #tpu.memory_space<vmem>>, vector<1x16xf32>,
        %get3A_276 = vector.shape_cast %get3A_275 : vector<1x16xf32> to vector<16xf32>
        %mul3A_277 = arith.constant 2 : i32
        %mul3A_278 = arith.muli %mul3A_277, %add3A_268 : i32
        %add3A_279 = arith.constant 0 : i32
        %add3A_280 = arith.addi %mul3A_278, %add3A_279 : i32
        %get3A_281 = arith.index_cast %add3A_280 : i32 to index
        %get3A_282 = arith.constant 0 : index
        %get3A_283 = tpu.vector_load %arg13[%get3A_281, %get3A_282] {strides = array<i32>} : memref<128x64xf32, #tpu.memory_space<vmem>>, vector<1x16xf32>,
        %get3A_284 = vector.shape_cast %get3A_283 : vector<1x16xf32> to vector<16xf32>
        %add3A_285 = arith.addf %get3A_276, %get3A_284 : vector<16xf32>
        %swap3A_286 = arith.index_cast %add3A_268 : i32 to index
        %swap3A_287 = arith.constant 0 : index
        %swap3A_288 = tpu.vector_load %arg14[%swap3A_286, %swap3A_287] {strides = array<i32>} : memref<64x128xf32, #tpu.memory_space<vmem>>, vector<1x16xf32>,
        %swap3A_289 = vector.shape_cast %swap3A_288 : vector<1x16xf32> to vector<16xf32>
        %swap3A_290 = vector.shape_cast %add3A_285 : vector<16xf32> to vector<1x16xf32>
        tpu.vector_store %arg14[%swap3A_286, %swap3A_287], %swap3A_290 {strides = array<i32>} : memref<64x128xf32, #tpu.memory_space<vmem>>, vector<1x16xf32>,
        %mul3A_291 = arith.constant 2 : i32
        %mul3A_292 = arith.muli %mul3A_291, %add3A_268 : i32
        %add3A_293 = arith.constant 0 : i32
        %add3A_294 = arith.addi %mul3A_292, %add3A_293 : i32
        %get3A_295 = arith.index_cast %add3A_294 : i32 to index
        %get3A_296 = arith.constant 16 : index
        %get3A_297 = tpu.vector_load %arg12[%get3A_295, %get3A_296] {strides = array<i32>} : memref<128x64xf32, #tpu.memory_space<vmem>>, vector<1x16xf32>,
        %get3A_298 = vector.shape_cast %get3A_297 : vector<1x16xf32> to vector<16xf32>
        %mul3A_299 = arith.constant 2 : i32
        %mul3A_300 = arith.muli %mul3A_299, %add3A_268 : i32
        %add3A_301 = arith.constant 0 : i32
        %add3A_302 = arith.addi %mul3A_300, %add3A_301 : i32
        %get3A_303 = arith.index_cast %add3A_302 : i32 to index
        %get3A_304 = arith.constant 16 : index
        %get3A_305 = tpu.vector_load %arg13[%get3A_303, %get3A_304] {strides = array<i32>} : memref<128x64xf32, #tpu.memory_space<vmem>>, vector<1x16xf32>,
        %get3A_306 = vector.shape_cast %get3A_305 : vector<1x16xf32> to vector<16xf32>
        %add3A_307 = arith.addf %get3A_298, %get3A_306 : vector<16xf32>
        %swap3A_308 = arith.index_cast %add3A_268 : i32 to index
        %swap3A_309 = arith.constant 16 : index
        %swap3A_310 = tpu.vector_load %arg14[%swap3A_308, %swap3A_309] {strides = array<i32>} : memref<64x128xf32, #tpu.memory_space<vmem>>, vector<1x16xf32>,
        %swap3A_311 = vector.shape_cast %swap3A_310 : vector<1x16xf32> to vector<16xf32>
        %swap3A_312 = vector.shape_cast %add3A_307 : vector<16xf32> to vector<1x16xf32>
        tpu.vector_store %arg14[%swap3A_308, %swap3A_309], %swap3A_312 {strides = array<i32>} : memref<64x128xf32, #tpu.memory_space<vmem>>, vector<1x16xf32>,
        %mul3A_313 = arith.constant 2 : i32
        %mul3A_314 = arith.muli %mul3A_313, %add3A_268 : i32
        %add3A_315 = arith.constant 0 : i32
        %add3A_316 = arith.addi %mul3A_314, %add3A_315 : i32
        %get3A_317 = arith.index_cast %add3A_316 : i32 to index
        %get3A_318 = arith.constant 32 : index
        %get3A_319 = tpu.vector_load %arg12[%get3A_317, %get3A_318] {strides = array<i32>} : memref<128x64xf32, #tpu.memory_space<vmem>>, vector<1x16xf32>,
        %get3A_320 = vector.shape_cast %get3A_319 : vector<1x16xf32> to vector<16xf32>
        %mul3A_321 = arith.constant 2 : i32
        %mul3A_322 = arith.muli %mul3A_321, %add3A_268 : i32
        %add3A_323 = arith.constant 0 : i32
        %add3A_324 = arith.addi %mul3A_322, %add3A_323 : i32
        %get3A_325 = arith.index_cast %add3A_324 : i32 to index
        %get3A_326 = arith.constant 32 : index
        %get3A_327 = tpu.vector_load %arg13[%get3A_325, %get3A_326] {strides = array<i32>} : memref<128x64xf32, #tpu.memory_space<vmem>>, vector<1x16xf32>,
        %get3A_328 = vector.shape_cast %get3A_327 : vector<1x16xf32> to vector<16xf32>
        %add3A_329 = arith.addf %get3A_320, %get3A_328 : vector<16xf32>
        %swap3A_330 = arith.index_cast %add3A_268 : i32 to index
        %swap3A_331 = arith.constant 32 : index
        %swap3A_332 = tpu.vector_load %arg14[%swap3A_330, %swap3A_331] {strides = array<i32>} : memref<64x128xf32, #tpu.memory_space<vmem>>, vector<1x16xf32>,
        %swap3A_333 = vector.shape_cast %swap3A_332 : vector<1x16xf32> to vector<16xf32>
        %swap3A_334 = vector.shape_cast %add3A_329 : vector<16xf32> to vector<1x16xf32>
        tpu.vector_store %arg14[%swap3A_330, %swap3A_331], %swap3A_334 {strides = array<i32>} : memref<64x128xf32, #tpu.memory_space<vmem>>, vector<1x16xf32>,
        %mul3A_335 = arith.constant 2 : i32
        %mul3A_336 = arith.muli %mul3A_335, %add3A_268 : i32
        %add3A_337 = arith.constant 0 : i32
        %add3A_338 = arith.addi %mul3A_336, %add3A_337 : i32
        %get3A_339 = arith.index_cast %add3A_338 : i32 to index
        %get3A_340 = arith.constant 48 : index
        %get3A_341 = tpu.vector_load %arg12[%get3A_339, %get3A_340] {strides = array<i32>} : memref<128x64xf32, #tpu.memory_space<vmem>>, vector<1x16xf32>,
        %get3A_342 = vector.shape_cast %get3A_341 : vector<1x16xf32> to vector<16xf32>
        %mul3A_343 = arith.constant 2 : i32
        %mul3A_344 = arith.muli %mul3A_343, %add3A_268 : i32
        %add3A_345 = arith.constant 0 : i32
        %add3A_346 = arith.addi %mul3A_344, %add3A_345 : i32
        %get3A_347 = arith.index_cast %add3A_346 : i32 to index
        %get3A_348 = arith.constant 48 : index
        %get3A_349 = tpu.vector_load %arg13[%get3A_347, %get3A_348] {strides = array<i32>} : memref<128x64xf32, #tpu.memory_space<vmem>>, vector<1x16xf32>,
        %get3A_350 = vector.shape_cast %get3A_349 : vector<1x16xf32> to vector<16xf32>
        %add3A_351 = arith.addf %get3A_342, %get3A_350 : vector<16xf32>
        %swap3A_352 = arith.index_cast %add3A_268 : i32 to index
        %swap3A_353 = arith.constant 48 : index
        %swap3A_354 = tpu.vector_load %arg14[%swap3A_352, %swap3A_353] {strides = array<i32>} : memref<64x128xf32, #tpu.memory_space<vmem>>, vector<1x16xf32>,
        %swap3A_355 = vector.shape_cast %swap3A_354 : vector<1x16xf32> to vector<16xf32>
        %swap3A_356 = vector.shape_cast %add3A_351 : vector<16xf32> to vector<1x16xf32>
        tpu.vector_store %arg14[%swap3A_352, %swap3A_353], %swap3A_356 {strides = array<i32>} : memref<64x128xf32, #tpu.memory_space<vmem>>, vector<1x16xf32>,
        %mul3A_357 = arith.constant 2 : i32
        %mul3A_358 = arith.muli %mul3A_357, %add3A_268 : i32
        %add3A_359 = arith.constant 1 : i32
        %add3A_360 = arith.addi %mul3A_358, %add3A_359 : i32
        %get3A_361 = arith.index_cast %add3A_360 : i32 to index
        %get3A_362 = arith.constant 0 : index
        %get3A_363 = tpu.vector_load %arg12[%get3A_361, %get3A_362] {strides = array<i32>} : memref<128x64xf32, #tpu.memory_space<vmem>>, vector<1x16xf32>,
        %get3A_364 = vector.shape_cast %get3A_363 : vector<1x16xf32> to vector<16xf32>
        %mul3A_365 = arith.constant 2 : i32
        %mul3A_366 = arith.muli %mul3A_365, %add3A_268 : i32
        %add3A_367 = arith.constant 1 : i32
        %add3A_368 = arith.addi %mul3A_366, %add3A_367 : i32
        %get3A_369 = arith.index_cast %add3A_368 : i32 to index
        %get3A_370 = arith.constant 0 : index
        %get3A_371 = tpu.vector_load %arg13[%get3A_369, %get3A_370] {strides = array<i32>} : memref<128x64xf32, #tpu.memory_space<vmem>>, vector<1x16xf32>,
        %get3A_372 = vector.shape_cast %get3A_371 : vector<1x16xf32> to vector<16xf32>
        %add3A_373 = arith.addf %get3A_364, %get3A_372 : vector<16xf32>
        %swap3A_374 = arith.index_cast %add3A_268 : i32 to index
        %swap3A_375 = arith.constant 64 : index
        %swap3A_376 = tpu.vector_load %arg14[%swap3A_374, %swap3A_375] {strides = array<i32>} : memref<64x128xf32, #tpu.memory_space<vmem>>, vector<1x16xf32>,
        %swap3A_377 = vector.shape_cast %swap3A_376 : vector<1x16xf32> to vector<16xf32>
        %swap3A_378 = vector.shape_cast %add3A_373 : vector<16xf32> to vector<1x16xf32>
        tpu.vector_store %arg14[%swap3A_374, %swap3A_375], %swap3A_378 {strides = array<i32>} : memref<64x128xf32, #tpu.memory_space<vmem>>, vector<1x16xf32>,
        %mul3A_379 = arith.constant 2 : i32
        %mul3A_380 = arith.muli %mul3A_379, %add3A_268 : i32
        %add3A_381 = arith.constant 1 : i32
        %add3A_382 = arith.addi %mul3A_380, %add3A_381 : i32
        %get3A_383 = arith.index_cast %add3A_382 : i32 to index
        %get3A_384 = arith.constant 16 : index
        %get3A_385 = tpu.vector_load %arg12[%get3A_383, %get3A_384] {strides = array<i32>} : memref<128x64xf32, #tpu.memory_space<vmem>>, vector<1x16xf32>,
        %get3A_386 = vector.shape_cast %get3A_385 : vector<1x16xf32> to vector<16xf32>
        %mul3A_387 = arith.constant 2 : i32
        %mul3A_388 = arith.muli %mul3A_387, %add3A_268 : i32
        %add3A_389 = arith.constant 1 : i32
        %add3A_390 = arith.addi %mul3A_388, %add3A_389 : i32
        %get3A_391 = arith.index_cast %add3A_390 : i32 to index
        %get3A_392 = arith.constant 16 : index
        %get3A_393 = tpu.vector_load %arg13[%get3A_391, %get3A_392] {strides = array<i32>} : memref<128x64xf32, #tpu.memory_space<vmem>>, vector<1x16xf32>,
        %get3A_394 = vector.shape_cast %get3A_393 : vector<1x16xf32> to vector<16xf32>
        %add3A_395 = arith.addf %get3A_386, %get3A_394 : vector<16xf32>
        %swap3A_396 = arith.index_cast %add3A_268 : i32 to index
        %swap3A_397 = arith.constant 80 : index
        %swap3A_398 = tpu.vector_load %arg14[%swap3A_396, %swap3A_397] {strides = array<i32>} : memref<64x128xf32, #tpu.memory_space<vmem>>, vector<1x16xf32>,
        %swap3A_399 = vector.shape_cast %swap3A_398 : vector<1x16xf32> to vector<16xf32>
        %swap3A_400 = vector.shape_cast %add3A_395 : vector<16xf32> to vector<1x16xf32>
        tpu.vector_store %arg14[%swap3A_396, %swap3A_397], %swap3A_400 {strides = array<i32>} : memref<64x128xf32, #tpu.memory_space<vmem>>, vector<1x16xf32>,
        %mul3A_401 = arith.constant 2 : i32
        %mul3A_402 = arith.muli %mul3A_401, %add3A_268 : i32
        %add3A_403 = arith.constant 1 : i32
        %add3A_404 = arith.addi %mul3A_402, %add3A_403 : i32
        %get3A_405 = arith.index_cast %add3A_404 : i32 to index
        %get3A_406 = arith.constant 32 : index
        %get3A_407 = tpu.vector_load %arg12[%get3A_405, %get3A_406] {strides = array<i32>} : memref<128x64xf32, #tpu.memory_space<vmem>>, vector<1x16xf32>,
        %get3A_408 = vector.shape_cast %get3A_407 : vector<1x16xf32> to vector<16xf32>
        %mul3A_409 = arith.constant 2 : i32
        %mul3A_410 = arith.muli %mul3A_409, %add3A_268 : i32
        %add3A_411 = arith.constant 1 : i32
        %add3A_412 = arith.addi %mul3A_410, %add3A_411 : i32
        %get3A_413 = arith.index_cast %add3A_412 : i32 to index
        %get3A_414 = arith.constant 32 : index
        %get3A_415 = tpu.vector_load %arg13[%get3A_413, %get3A_414] {strides = array<i32>} : memref<128x64xf32, #tpu.memory_space<vmem>>, vector<1x16xf32>,
        %get3A_416 = vector.shape_cast %get3A_415 : vector<1x16xf32> to vector<16xf32>
        %add3A_417 = arith.addf %get3A_408, %get3A_416 : vector<16xf32>
        %swap3A_418 = arith.index_cast %add3A_268 : i32 to index
        %swap3A_419 = arith.constant 96 : index
        %swap3A_420 = tpu.vector_load %arg14[%swap3A_418, %swap3A_419] {strides = array<i32>} : memref<64x128xf32, #tpu.memory_space<vmem>>, vector<1x16xf32>,
        %swap3A_421 = vector.shape_cast %swap3A_420 : vector<1x16xf32> to vector<16xf32>
        %swap3A_422 = vector.shape_cast %add3A_417 : vector<16xf32> to vector<1x16xf32>
        tpu.vector_store %arg14[%swap3A_418, %swap3A_419], %swap3A_422 {strides = array<i32>} : memref<64x128xf32, #tpu.memory_space<vmem>>, vector<1x16xf32>,
        %mul3A_423 = arith.constant 2 : i32
        %mul3A_424 = arith.muli %mul3A_423, %add3A_268 : i32
        %add3A_425 = arith.constant 1 : i32
        %add3A_426 = arith.addi %mul3A_424, %add3A_425 : i32
        %get3A_427 = arith.index_cast %add3A_426 : i32 to index
        %get3A_428 = arith.constant 48 : index
        %get3A_429 = tpu.vector_load %arg12[%get3A_427, %get3A_428] {strides = array<i32>} : memref<128x64xf32, #tpu.memory_space<vmem>>, vector<1x16xf32>,
        %get3A_430 = vector.shape_cast %get3A_429 : vector<1x16xf32> to vector<16xf32>
        %mul3A_431 = arith.constant 2 : i32
        %mul3A_432 = arith.muli %mul3A_431, %add3A_268 : i32
        %add3A_433 = arith.constant 1 : i32
        %add3A_434 = arith.addi %mul3A_432, %add3A_433 : i32
        %get3A_435 = arith.index_cast %add3A_434 : i32 to index
        %get3A_436 = arith.constant 48 : index
        %get3A_437 = tpu.vector_load %arg13[%get3A_435, %get3A_436] {strides = array<i32>} : memref<128x64xf32, #tpu.memory_space<vmem>>, vector<1x16xf32>,
        %get3A_438 = vector.shape_cast %get3A_437 : vector<1x16xf32> to vector<16xf32>
        %add3A_439 = arith.addf %get3A_430, %get3A_438 : vector<16xf32>
        %swap3A_440 = arith.index_cast %add3A_268 : i32 to index
        %swap3A_441 = arith.constant 112 : index
        %swap3A_442 = tpu.vector_load %arg14[%swap3A_440, %swap3A_441] {strides = array<i32>} : memref<64x128xf32, #tpu.memory_space<vmem>>, vector<1x16xf32>,
        %swap3A_443 = vector.shape_cast %swap3A_442 : vector<1x16xf32> to vector<16xf32>
        %swap3A_444 = vector.shape_cast %add3A_439 : vector<16xf32> to vector<1x16xf32>
        tpu.vector_store %arg14[%swap3A_440, %swap3A_441], %swap3A_444 {strides = array<i32>} : memref<64x128xf32, #tpu.memory_space<vmem>>, vector<1x16xf32>,
        %scan3A_445 = arith.constant 2 : i32
        %scan3A_446 = arith.addi %scan3A_84, %scan3A_445 : i32
        %mul3A_447 = arith.constant 1 : i32
        %mul3A_448 = arith.muli %scan3A_446, %mul3A_447 : i32
        %add3A_449 = arith.constant 0 : i32
        %add3A_450 = arith.addi %add3A_449, %mul3A_448 : i32
        %mul3A_451 = arith.constant 2 : i32
        %mul3A_452 = arith.muli %mul3A_451, %add3A_450 : i32
        %add3A_453 = arith.constant 0 : i32
        %add3A_454 = arith.addi %mul3A_452, %add3A_453 : i32
        %get3A_455 = arith.index_cast %add3A_454 : i32 to index
        %get3A_456 = arith.constant 0 : index
        %get3A_457 = tpu.vector_load %arg12[%get3A_455, %get3A_456] {strides = array<i32>} : memref<128x64xf32, #tpu.memory_space<vmem>>, vector<1x16xf32>,
        %get3A_458 = vector.shape_cast %get3A_457 : vector<1x16xf32> to vector<16xf32>
        %mul3A_459 = arith.constant 2 : i32
        %mul3A_460 = arith.muli %mul3A_459, %add3A_450 : i32
        %add3A_461 = arith.constant 0 : i32
        %add3A_462 = arith.addi %mul3A_460, %add3A_461 : i32
        %get3A_463 = arith.index_cast %add3A_462 : i32 to index
        %get3A_464 = arith.constant 0 : index
        %get3A_465 = tpu.vector_load %arg13[%get3A_463, %get3A_464] {strides = array<i32>} : memref<128x64xf32, #tpu.memory_space<vmem>>, vector<1x16xf32>,
        %get3A_466 = vector.shape_cast %get3A_465 : vector<1x16xf32> to vector<16xf32>
        %add3A_467 = arith.addf %get3A_458, %get3A_466 : vector<16xf32>
        %swap3A_468 = arith.index_cast %add3A_450 : i32 to index
        %swap3A_469 = arith.constant 0 : index
        %swap3A_470 = tpu.vector_load %arg14[%swap3A_468, %swap3A_469] {strides = array<i32>} : memref<64x128xf32, #tpu.memory_space<vmem>>, vector<1x16xf32>,
        %swap3A_471 = vector.shape_cast %swap3A_470 : vector<1x16xf32> to vector<16xf32>
        %swap3A_472 = vector.shape_cast %add3A_467 : vector<16xf32> to vector<1x16xf32>
        tpu.vector_store %arg14[%swap3A_468, %swap3A_469], %swap3A_472 {strides = array<i32>} : memref<64x128xf32, #tpu.memory_space<vmem>>, vector<1x16xf32>,
        %mul3A_473 = arith.constant 2 : i32
        %mul3A_474 = arith.muli %mul3A_473, %add3A_450 : i32
        %add3A_475 = arith.constant 0 : i32
        %add3A_476 = arith.addi %mul3A_474, %add3A_475 : i32
        %get3A_477 = arith.index_cast %add3A_476 : i32 to index
        %get3A_478 = arith.constant 16 : index
        %get3A_479 = tpu.vector_load %arg12[%get3A_477, %get3A_478] {strides = array<i32>} : memref<128x64xf32, #tpu.memory_space<vmem>>, vector<1x16xf32>,
        %get3A_480 = vector.shape_cast %get3A_479 : vector<1x16xf32> to vector<16xf32>
        %mul3A_481 = arith.constant 2 : i32
        %mul3A_482 = arith.muli %mul3A_481, %add3A_450 : i32
        %add3A_483 = arith.constant 0 : i32
        %add3A_484 = arith.addi %mul3A_482, %add3A_483 : i32
        %get3A_485 = arith.index_cast %add3A_484 : i32 to index
        %get3A_486 = arith.constant 16 : index
        %get3A_487 = tpu.vector_load %arg13[%get3A_485, %get3A_486] {strides = array<i32>} : memref<128x64xf32, #tpu.memory_space<vmem>>, vector<1x16xf32>,
        %get3A_488 = vector.shape_cast %get3A_487 : vector<1x16xf32> to vector<16xf32>
        %add3A_489 = arith.addf %get3A_480, %get3A_488 : vector<16xf32>
        %swap3A_490 = arith.index_cast %add3A_450 : i32 to index
        %swap3A_491 = arith.constant 16 : index
        %swap3A_492 = tpu.vector_load %arg14[%swap3A_490, %swap3A_491] {strides = array<i32>} : memref<64x128xf32, #tpu.memory_space<vmem>>, vector<1x16xf32>,
        %swap3A_493 = vector.shape_cast %swap3A_492 : vector<1x16xf32> to vector<16xf32>
        %swap3A_494 = vector.shape_cast %add3A_489 : vector<16xf32> to vector<1x16xf32>
        tpu.vector_store %arg14[%swap3A_490, %swap3A_491], %swap3A_494 {strides = array<i32>} : memref<64x128xf32, #tpu.memory_space<vmem>>, vector<1x16xf32>,
        %mul3A_495 = arith.constant 2 : i32
        %mul3A_496 = arith.muli %mul3A_495, %add3A_450 : i32
        %add3A_497 = arith.constant 0 : i32
        %add3A_498 = arith.addi %mul3A_496, %add3A_497 : i32
        %get3A_499 = arith.index_cast %add3A_498 : i32 to index
        %get3A_500 = arith.constant 32 : index
        %get3A_501 = tpu.vector_load %arg12[%get3A_499, %get3A_500] {strides = array<i32>} : memref<128x64xf32, #tpu.memory_space<vmem>>, vector<1x16xf32>,
        %get3A_502 = vector.shape_cast %get3A_501 : vector<1x16xf32> to vector<16xf32>
        %mul3A_503 = arith.constant 2 : i32
        %mul3A_504 = arith.muli %mul3A_503, %add3A_450 : i32
        %add3A_505 = arith.constant 0 : i32
        %add3A_506 = arith.addi %mul3A_504, %add3A_505 : i32
        %get3A_507 = arith.index_cast %add3A_506 : i32 to index
        %get3A_508 = arith.constant 32 : index
        %get3A_509 = tpu.vector_load %arg13[%get3A_507, %get3A_508] {strides = array<i32>} : memref<128x64xf32, #tpu.memory_space<vmem>>, vector<1x16xf32>,
        %get3A_510 = vector.shape_cast %get3A_509 : vector<1x16xf32> to vector<16xf32>
        %add3A_511 = arith.addf %get3A_502, %get3A_510 : vector<16xf32>
        %swap3A_512 = arith.index_cast %add3A_450 : i32 to index
        %swap3A_513 = arith.constant 32 : index
        %swap3A_514 = tpu.vector_load %arg14[%swap3A_512, %swap3A_513] {strides = array<i32>} : memref<64x128xf32, #tpu.memory_space<vmem>>, vector<1x16xf32>,
        %swap3A_515 = vector.shape_cast %swap3A_514 : vector<1x16xf32> to vector<16xf32>
        %swap3A_516 = vector.shape_cast %add3A_511 : vector<16xf32> to vector<1x16xf32>
        tpu.vector_store %arg14[%swap3A_512, %swap3A_513], %swap3A_516 {strides = array<i32>} : memref<64x128xf32, #tpu.memory_space<vmem>>, vector<1x16xf32>,
        %mul3A_517 = arith.constant 2 : i32
        %mul3A_518 = arith.muli %mul3A_517, %add3A_450 : i32
        %add3A_519 = arith.constant 0 : i32
        %add3A_520 = arith.addi %mul3A_518, %add3A_519 : i32
        %get3A_521 = arith.index_cast %add3A_520 : i32 to index
        %get3A_522 = arith.constant 48 : index
        %get3A_523 = tpu.vector_load %arg12[%get3A_521, %get3A_522] {strides = array<i32>} : memref<128x64xf32, #tpu.memory_space<vmem>>, vector<1x16xf32>,
        %get3A_524 = vector.shape_cast %get3A_523 : vector<1x16xf32> to vector<16xf32>
        %mul3A_525 = arith.constant 2 : i32
        %mul3A_526 = arith.muli %mul3A_525, %add3A_450 : i32
        %add3A_527 = arith.constant 0 : i32
        %add3A_528 = arith.addi %mul3A_526, %add3A_527 : i32
        %get3A_529 = arith.index_cast %add3A_528 : i32 to index
        %get3A_530 = arith.constant 48 : index
        %get3A_531 = tpu.vector_load %arg13[%get3A_529, %get3A_530] {strides = array<i32>} : memref<128x64xf32, #tpu.memory_space<vmem>>, vector<1x16xf32>,
        %get3A_532 = vector.shape_cast %get3A_531 : vector<1x16xf32> to vector<16xf32>
        %add3A_533 = arith.addf %get3A_524, %get3A_532 : vector<16xf32>
        %swap3A_534 = arith.index_cast %add3A_450 : i32 to index
        %swap3A_535 = arith.constant 48 : index
        %swap3A_536 = tpu.vector_load %arg14[%swap3A_534, %swap3A_535] {strides = array<i32>} : memref<64x128xf32, #tpu.memory_space<vmem>>, vector<1x16xf32>,
        %swap3A_537 = vector.shape_cast %swap3A_536 : vector<1x16xf32> to vector<16xf32>
        %swap3A_538 = vector.shape_cast %add3A_533 : vector<16xf32> to vector<1x16xf32>
        tpu.vector_store %arg14[%swap3A_534, %swap3A_535], %swap3A_538 {strides = array<i32>} : memref<64x128xf32, #tpu.memory_space<vmem>>, vector<1x16xf32>,
        %mul3A_539 = arith.constant 2 : i32
        %mul3A_540 = arith.muli %mul3A_539, %add3A_450 : i32
        %add3A_541 = arith.constant 1 : i32
        %add3A_542 = arith.addi %mul3A_540, %add3A_541 : i32
        %get3A_543 = arith.index_cast %add3A_542 : i32 to index
        %get3A_544 = arith.constant 0 : index
        %get3A_545 = tpu.vector_load %arg12[%get3A_543, %get3A_544] {strides = array<i32>} : memref<128x64xf32, #tpu.memory_space<vmem>>, vector<1x16xf32>,
        %get3A_546 = vector.shape_cast %get3A_545 : vector<1x16xf32> to vector<16xf32>
        %mul3A_547 = arith.constant 2 : i32
        %mul3A_548 = arith.muli %mul3A_547, %add3A_450 : i32
        %add3A_549 = arith.constant 1 : i32
        %add3A_550 = arith.addi %mul3A_548, %add3A_549 : i32
        %get3A_551 = arith.index_cast %add3A_550 : i32 to index
        %get3A_552 = arith.constant 0 : index
        %get3A_553 = tpu.vector_load %arg13[%get3A_551, %get3A_552] {strides = array<i32>} : memref<128x64xf32, #tpu.memory_space<vmem>>, vector<1x16xf32>,
        %get3A_554 = vector.shape_cast %get3A_553 : vector<1x16xf32> to vector<16xf32>
        %add3A_555 = arith.addf %get3A_546, %get3A_554 : vector<16xf32>
        %swap3A_556 = arith.index_cast %add3A_450 : i32 to index
        %swap3A_557 = arith.constant 64 : index
        %swap3A_558 = tpu.vector_load %arg14[%swap3A_556, %swap3A_557] {strides = array<i32>} : memref<64x128xf32, #tpu.memory_space<vmem>>, vector<1x16xf32>,
        %swap3A_559 = vector.shape_cast %swap3A_558 : vector<1x16xf32> to vector<16xf32>
        %swap3A_560 = vector.shape_cast %add3A_555 : vector<16xf32> to vector<1x16xf32>
        tpu.vector_store %arg14[%swap3A_556, %swap3A_557], %swap3A_560 {strides = array<i32>} : memref<64x128xf32, #tpu.memory_space<vmem>>, vector<1x16xf32>,
        %mul3A_561 = arith.constant 2 : i32
        %mul3A_562 = arith.muli %mul3A_561, %add3A_450 : i32
        %add3A_563 = arith.constant 1 : i32
        %add3A_564 = arith.addi %mul3A_562, %add3A_563 : i32
        %get3A_565 = arith.index_cast %add3A_564 : i32 to index
        %get3A_566 = arith.constant 16 : index
        %get3A_567 = tpu.vector_load %arg12[%get3A_565, %get3A_566] {strides = array<i32>} : memref<128x64xf32, #tpu.memory_space<vmem>>, vector<1x16xf32>,
        %get3A_568 = vector.shape_cast %get3A_567 : vector<1x16xf32> to vector<16xf32>
        %mul3A_569 = arith.constant 2 : i32
        %mul3A_570 = arith.muli %mul3A_569, %add3A_450 : i32
        %add3A_571 = arith.constant 1 : i32
        %add3A_572 = arith.addi %mul3A_570, %add3A_571 : i32
        %get3A_573 = arith.index_cast %add3A_572 : i32 to index
        %get3A_574 = arith.constant 16 : index
        %get3A_575 = tpu.vector_load %arg13[%get3A_573, %get3A_574] {strides = array<i32>} : memref<128x64xf32, #tpu.memory_space<vmem>>, vector<1x16xf32>,
        %get3A_576 = vector.shape_cast %get3A_575 : vector<1x16xf32> to vector<16xf32>
        %add3A_577 = arith.addf %get3A_568, %get3A_576 : vector<16xf32>
        %swap3A_578 = arith.index_cast %add3A_450 : i32 to index
        %swap3A_579 = arith.constant 80 : index
        %swap3A_580 = tpu.vector_load %arg14[%swap3A_578, %swap3A_579] {strides = array<i32>} : memref<64x128xf32, #tpu.memory_space<vmem>>, vector<1x16xf32>,
        %swap3A_581 = vector.shape_cast %swap3A_580 : vector<1x16xf32> to vector<16xf32>
        %swap3A_582 = vector.shape_cast %add3A_577 : vector<16xf32> to vector<1x16xf32>
        tpu.vector_store %arg14[%swap3A_578, %swap3A_579], %swap3A_582 {strides = array<i32>} : memref<64x128xf32, #tpu.memory_space<vmem>>, vector<1x16xf32>,
        %mul3A_583 = arith.constant 2 : i32
        %mul3A_584 = arith.muli %mul3A_583, %add3A_450 : i32
        %add3A_585 = arith.constant 1 : i32
        %add3A_586 = arith.addi %mul3A_584, %add3A_585 : i32
        %get3A_587 = arith.index_cast %add3A_586 : i32 to index
        %get3A_588 = arith.constant 32 : index
        %get3A_589 = tpu.vector_load %arg12[%get3A_587, %get3A_588] {strides = array<i32>} : memref<128x64xf32, #tpu.memory_space<vmem>>, vector<1x16xf32>,
        %get3A_590 = vector.shape_cast %get3A_589 : vector<1x16xf32> to vector<16xf32>
        %mul3A_591 = arith.constant 2 : i32
        %mul3A_592 = arith.muli %mul3A_591, %add3A_450 : i32
        %add3A_593 = arith.constant 1 : i32
        %add3A_594 = arith.addi %mul3A_592, %add3A_593 : i32
        %get3A_595 = arith.index_cast %add3A_594 : i32 to index
        %get3A_596 = arith.constant 32 : index
        %get3A_597 = tpu.vector_load %arg13[%get3A_595, %get3A_596] {strides = array<i32>} : memref<128x64xf32, #tpu.memory_space<vmem>>, vector<1x16xf32>,
        %get3A_598 = vector.shape_cast %get3A_597 : vector<1x16xf32> to vector<16xf32>
        %add3A_599 = arith.addf %get3A_590, %get3A_598 : vector<16xf32>
        %swap3A_600 = arith.index_cast %add3A_450 : i32 to index
        %swap3A_601 = arith.constant 96 : index
        %swap3A_602 = tpu.vector_load %arg14[%swap3A_600, %swap3A_601] {strides = array<i32>} : memref<64x128xf32, #tpu.memory_space<vmem>>, vector<1x16xf32>,
        %swap3A_603 = vector.shape_cast %swap3A_602 : vector<1x16xf32> to vector<16xf32>
        %swap3A_604 = vector.shape_cast %add3A_599 : vector<16xf32> to vector<1x16xf32>
        tpu.vector_store %arg14[%swap3A_600, %swap3A_601], %swap3A_604 {strides = array<i32>} : memref<64x128xf32, #tpu.memory_space<vmem>>, vector<1x16xf32>,
        %mul3A_605 = arith.constant 2 : i32
        %mul3A_606 = arith.muli %mul3A_605, %add3A_450 : i32
        %add3A_607 = arith.constant 1 : i32
        %add3A_608 = arith.addi %mul3A_606, %add3A_607 : i32
        %get3A_609 = arith.index_cast %add3A_608 : i32 to index
        %get3A_610 = arith.constant 48 : index
        %get3A_611 = tpu.vector_load %arg12[%get3A_609, %get3A_610] {strides = array<i32>} : memref<128x64xf32, #tpu.memory_space<vmem>>, vector<1x16xf32>,
        %get3A_612 = vector.shape_cast %get3A_611 : vector<1x16xf32> to vector<16xf32>
        %mul3A_613 = arith.constant 2 : i32
        %mul3A_614 = arith.muli %mul3A_613, %add3A_450 : i32
        %add3A_615 = arith.constant 1 : i32
        %add3A_616 = arith.addi %mul3A_614, %add3A_615 : i32
        %get3A_617 = arith.index_cast %add3A_616 : i32 to index
        %get3A_618 = arith.constant 48 : index
        %get3A_619 = tpu.vector_load %arg13[%get3A_617, %get3A_618] {strides = array<i32>} : memref<128x64xf32, #tpu.memory_space<vmem>>, vector<1x16xf32>,
        %get3A_620 = vector.shape_cast %get3A_619 : vector<1x16xf32> to vector<16xf32>
        %add3A_621 = arith.addf %get3A_612, %get3A_620 : vector<16xf32>
        %swap3A_622 = arith.index_cast %add3A_450 : i32 to index
        %swap3A_623 = arith.constant 112 : index
        %swap3A_624 = tpu.vector_load %arg14[%swap3A_622, %swap3A_623] {strides = array<i32>} : memref<64x128xf32, #tpu.memory_space<vmem>>, vector<1x16xf32>,
        %swap3A_625 = vector.shape_cast %swap3A_624 : vector<1x16xf32> to vector<16xf32>
        %swap3A_626 = vector.shape_cast %add3A_621 : vector<16xf32> to vector<1x16xf32>
        tpu.vector_store %arg14[%swap3A_622, %swap3A_623], %swap3A_626 {strides = array<i32>} : memref<64x128xf32, #tpu.memory_space<vmem>>, vector<1x16xf32>,
        %scan3A_627 = arith.constant 3 : i32
        %scan3A_628 = arith.addi %scan3A_84, %scan3A_627 : i32
        %mul3A_629 = arith.constant 1 : i32
        %mul3A_630 = arith.muli %scan3A_628, %mul3A_629 : i32
        %add3A_631 = arith.constant 0 : i32
        %add3A_632 = arith.addi %add3A_631, %mul3A_630 : i32
        %mul3A_633 = arith.constant 2 : i32
        %mul3A_634 = arith.muli %mul3A_633, %add3A_632 : i32
        %add3A_635 = arith.constant 0 : i32
        %add3A_636 = arith.addi %mul3A_634, %add3A_635 : i32
        %get3A_637 = arith.index_cast %add3A_636 : i32 to index
        %get3A_638 = arith.constant 0 : index
        %get3A_639 = tpu.vector_load %arg12[%get3A_637, %get3A_638] {strides = array<i32>} : memref<128x64xf32, #tpu.memory_space<vmem>>, vector<1x16xf32>,
        %get3A_640 = vector.shape_cast %get3A_639 : vector<1x16xf32> to vector<16xf32>
        %mul3A_641 = arith.constant 2 : i32
        %mul3A_642 = arith.muli %mul3A_641, %add3A_632 : i32
        %add3A_643 = arith.constant 0 : i32
        %add3A_644 = arith.addi %mul3A_642, %add3A_643 : i32
        %get3A_645 = arith.index_cast %add3A_644 : i32 to index
        %get3A_646 = arith.constant 0 : index
        %get3A_647 = tpu.vector_load %arg13[%get3A_645, %get3A_646] {strides = array<i32>} : memref<128x64xf32, #tpu.memory_space<vmem>>, vector<1x16xf32>,
        %get3A_648 = vector.shape_cast %get3A_647 : vector<1x16xf32> to vector<16xf32>
        %add3A_649 = arith.addf %get3A_640, %get3A_648 : vector<16xf32>
        %swap3A_650 = arith.index_cast %add3A_632 : i32 to index
        %swap3A_651 = arith.constant 0 : index
        %swap3A_652 = tpu.vector_load %arg14[%swap3A_650, %swap3A_651] {strides = array<i32>} : memref<64x128xf32, #tpu.memory_space<vmem>>, vector<1x16xf32>,
        %swap3A_653 = vector.shape_cast %swap3A_652 : vector<1x16xf32> to vector<16xf32>
        %swap3A_654 = vector.shape_cast %add3A_649 : vector<16xf32> to vector<1x16xf32>
        tpu.vector_store %arg14[%swap3A_650, %swap3A_651], %swap3A_654 {strides = array<i32>} : memref<64x128xf32, #tpu.memory_space<vmem>>, vector<1x16xf32>,
        %mul3A_655 = arith.constant 2 : i32
        %mul3A_656 = arith.muli %mul3A_655, %add3A_632 : i32
        %add3A_657 = arith.constant 0 : i32
        %add3A_658 = arith.addi %mul3A_656, %add3A_657 : i32
        %get3A_659 = arith.index_cast %add3A_658 : i32 to index
        %get3A_660 = arith.constant 16 : index
        %get3A_661 = tpu.vector_load %arg12[%get3A_659, %get3A_660] {strides = array<i32>} : memref<128x64xf32, #tpu.memory_space<vmem>>, vector<1x16xf32>,
        %get3A_662 = vector.shape_cast %get3A_661 : vector<1x16xf32> to vector<16xf32>
        %mul3A_663 = arith.constant 2 : i32
        %mul3A_664 = arith.muli %mul3A_663, %add3A_632 : i32
        %add3A_665 = arith.constant 0 : i32
        %add3A_666 = arith.addi %mul3A_664, %add3A_665 : i32
        %get3A_667 = arith.index_cast %add3A_666 : i32 to index
        %get3A_668 = arith.constant 16 : index
        %get3A_669 = tpu.vector_load %arg13[%get3A_667, %get3A_668] {strides = array<i32>} : memref<128x64xf32, #tpu.memory_space<vmem>>, vector<1x16xf32>,
        %get3A_670 = vector.shape_cast %get3A_669 : vector<1x16xf32> to vector<16xf32>
        %add3A_671 = arith.addf %get3A_662, %get3A_670 : vector<16xf32>
        %swap3A_672 = arith.index_cast %add3A_632 : i32 to index
        %swap3A_673 = arith.constant 16 : index
        %swap3A_674 = tpu.vector_load %arg14[%swap3A_672, %swap3A_673] {strides = array<i32>} : memref<64x128xf32, #tpu.memory_space<vmem>>, vector<1x16xf32>,
        %swap3A_675 = vector.shape_cast %swap3A_674 : vector<1x16xf32> to vector<16xf32>
        %swap3A_676 = vector.shape_cast %add3A_671 : vector<16xf32> to vector<1x16xf32>
        tpu.vector_store %arg14[%swap3A_672, %swap3A_673], %swap3A_676 {strides = array<i32>} : memref<64x128xf32, #tpu.memory_space<vmem>>, vector<1x16xf32>,
        %mul3A_677 = arith.constant 2 : i32
        %mul3A_678 = arith.muli %mul3A_677, %add3A_632 : i32
        %add3A_679 = arith.constant 0 : i32
        %add3A_680 = arith.addi %mul3A_678, %add3A_679 : i32
        %get3A_681 = arith.index_cast %add3A_680 : i32 to index
        %get3A_682 = arith.constant 32 : index
        %get3A_683 = tpu.vector_load %arg12[%get3A_681, %get3A_682] {strides = array<i32>} : memref<128x64xf32, #tpu.memory_space<vmem>>, vector<1x16xf32>,
        %get3A_684 = vector.shape_cast %get3A_683 : vector<1x16xf32> to vector<16xf32>
        %mul3A_685 = arith.constant 2 : i32
        %mul3A_686 = arith.muli %mul3A_685, %add3A_632 : i32
        %add3A_687 = arith.constant 0 : i32
        %add3A_688 = arith.addi %mul3A_686, %add3A_687 : i32
        %get3A_689 = arith.index_cast %add3A_688 : i32 to index
        %get3A_690 = arith.constant 32 : index
        %get3A_691 = tpu.vector_load %arg13[%get3A_689, %get3A_690] {strides = array<i32>} : memref<128x64xf32, #tpu.memory_space<vmem>>, vector<1x16xf32>,
        %get3A_692 = vector.shape_cast %get3A_691 : vector<1x16xf32> to vector<16xf32>
        %add3A_693 = arith.addf %get3A_684, %get3A_692 : vector<16xf32>
        %swap3A_694 = arith.index_cast %add3A_632 : i32 to index
        %swap3A_695 = arith.constant 32 : index
        %swap3A_696 = tpu.vector_load %arg14[%swap3A_694, %swap3A_695] {strides = array<i32>} : memref<64x128xf32, #tpu.memory_space<vmem>>, vector<1x16xf32>,
        %swap3A_697 = vector.shape_cast %swap3A_696 : vector<1x16xf32> to vector<16xf32>
        %swap3A_698 = vector.shape_cast %add3A_693 : vector<16xf32> to vector<1x16xf32>
        tpu.vector_store %arg14[%swap3A_694, %swap3A_695], %swap3A_698 {strides = array<i32>} : memref<64x128xf32, #tpu.memory_space<vmem>>, vector<1x16xf32>,
        %mul3A_699 = arith.constant 2 : i32
        %mul3A_700 = arith.muli %mul3A_699, %add3A_632 : i32
        %add3A_701 = arith.constant 0 : i32
        %add3A_702 = arith.addi %mul3A_700, %add3A_701 : i32
        %get3A_703 = arith.index_cast %add3A_702 : i32 to index
        %get3A_704 = arith.constant 48 : index
        %get3A_705 = tpu.vector_load %arg12[%get3A_703, %get3A_704] {strides = array<i32>} : memref<128x64xf32, #tpu.memory_space<vmem>>, vector<1x16xf32>,
        %get3A_706 = vector.shape_cast %get3A_705 : vector<1x16xf32> to vector<16xf32>
        %mul3A_707 = arith.constant 2 : i32
        %mul3A_708 = arith.muli %mul3A_707, %add3A_632 : i32
        %add3A_709 = arith.constant 0 : i32
        %add3A_710 = arith.addi %mul3A_708, %add3A_709 : i32
        %get3A_711 = arith.index_cast %add3A_710 : i32 to index
        %get3A_712 = arith.constant 48 : index
        %get3A_713 = tpu.vector_load %arg13[%get3A_711, %get3A_712] {strides = array<i32>} : memref<128x64xf32, #tpu.memory_space<vmem>>, vector<1x16xf32>,
        %get3A_714 = vector.shape_cast %get3A_713 : vector<1x16xf32> to vector<16xf32>
        %add3A_715 = arith.addf %get3A_706, %get3A_714 : vector<16xf32>
        %swap3A_716 = arith.index_cast %add3A_632 : i32 to index
        %swap3A_717 = arith.constant 48 : index
        %swap3A_718 = tpu.vector_load %arg14[%swap3A_716, %swap3A_717] {strides = array<i32>} : memref<64x128xf32, #tpu.memory_space<vmem>>, vector<1x16xf32>,
        %swap3A_719 = vector.shape_cast %swap3A_718 : vector<1x16xf32> to vector<16xf32>
        %swap3A_720 = vector.shape_cast %add3A_715 : vector<16xf32> to vector<1x16xf32>
        tpu.vector_store %arg14[%swap3A_716, %swap3A_717], %swap3A_720 {strides = array<i32>} : memref<64x128xf32, #tpu.memory_space<vmem>>, vector<1x16xf32>,
        %mul3A_721 = arith.constant 2 : i32
        %mul3A_722 = arith.muli %mul3A_721, %add3A_632 : i32
        %add3A_723 = arith.constant 1 : i32
        %add3A_724 = arith.addi %mul3A_722, %add3A_723 : i32
        %get3A_725 = arith.index_cast %add3A_724 : i32 to index
        %get3A_726 = arith.constant 0 : index
        %get3A_727 = tpu.vector_load %arg12[%get3A_725, %get3A_726] {strides = array<i32>} : memref<128x64xf32, #tpu.memory_space<vmem>>, vector<1x16xf32>,
        %get3A_728 = vector.shape_cast %get3A_727 : vector<1x16xf32> to vector<16xf32>
        %mul3A_729 = arith.constant 2 : i32
        %mul3A_730 = arith.muli %mul3A_729, %add3A_632 : i32
        %add3A_731 = arith.constant 1 : i32
        %add3A_732 = arith.addi %mul3A_730, %add3A_731 : i32
        %get3A_733 = arith.index_cast %add3A_732 : i32 to index
        %get3A_734 = arith.constant 0 : index
        %get3A_735 = tpu.vector_load %arg13[%get3A_733, %get3A_734] {strides = array<i32>} : memref<128x64xf32, #tpu.memory_space<vmem>>, vector<1x16xf32>,
        %get3A_736 = vector.shape_cast %get3A_735 : vector<1x16xf32> to vector<16xf32>
        %add3A_737 = arith.addf %get3A_728, %get3A_736 : vector<16xf32>
        %swap3A_738 = arith.index_cast %add3A_632 : i32 to index
        %swap3A_739 = arith.constant 64 : index
        %swap3A_740 = tpu.vector_load %arg14[%swap3A_738, %swap3A_739] {strides = array<i32>} : memref<64x128xf32, #tpu.memory_space<vmem>>, vector<1x16xf32>,
        %swap3A_741 = vector.shape_cast %swap3A_740 : vector<1x16xf32> to vector<16xf32>
        %swap3A_742 = vector.shape_cast %add3A_737 : vector<16xf32> to vector<1x16xf32>
        tpu.vector_store %arg14[%swap3A_738, %swap3A_739], %swap3A_742 {strides = array<i32>} : memref<64x128xf32, #tpu.memory_space<vmem>>, vector<1x16xf32>,
        %mul3A_743 = arith.constant 2 : i32
        %mul3A_744 = arith.muli %mul3A_743, %add3A_632 : i32
        %add3A_745 = arith.constant 1 : i32
        %add3A_746 = arith.addi %mul3A_744, %add3A_745 : i32
        %get3A_747 = arith.index_cast %add3A_746 : i32 to index
        %get3A_748 = arith.constant 16 : index
        %get3A_749 = tpu.vector_load %arg12[%get3A_747, %get3A_748] {strides = array<i32>} : memref<128x64xf32, #tpu.memory_space<vmem>>, vector<1x16xf32>,
        %get3A_750 = vector.shape_cast %get3A_749 : vector<1x16xf32> to vector<16xf32>
        %mul3A_751 = arith.constant 2 : i32
        %mul3A_752 = arith.muli %mul3A_751, %add3A_632 : i32
        %add3A_753 = arith.constant 1 : i32
        %add3A_754 = arith.addi %mul3A_752, %add3A_753 : i32
        %get3A_755 = arith.index_cast %add3A_754 : i32 to index
        %get3A_756 = arith.constant 16 : index
        %get3A_757 = tpu.vector_load %arg13[%get3A_755, %get3A_756] {strides = array<i32>} : memref<128x64xf32, #tpu.memory_space<vmem>>, vector<1x16xf32>,
        %get3A_758 = vector.shape_cast %get3A_757 : vector<1x16xf32> to vector<16xf32>
        %add3A_759 = arith.addf %get3A_750, %get3A_758 : vector<16xf32>
        %swap3A_760 = arith.index_cast %add3A_632 : i32 to index
        %swap3A_761 = arith.constant 80 : index
        %swap3A_762 = tpu.vector_load %arg14[%swap3A_760, %swap3A_761] {strides = array<i32>} : memref<64x128xf32, #tpu.memory_space<vmem>>, vector<1x16xf32>,
        %swap3A_763 = vector.shape_cast %swap3A_762 : vector<1x16xf32> to vector<16xf32>
        %swap3A_764 = vector.shape_cast %add3A_759 : vector<16xf32> to vector<1x16xf32>
        tpu.vector_store %arg14[%swap3A_760, %swap3A_761], %swap3A_764 {strides = array<i32>} : memref<64x128xf32, #tpu.memory_space<vmem>>, vector<1x16xf32>,
        %mul3A_765 = arith.constant 2 : i32
        %mul3A_766 = arith.muli %mul3A_765, %add3A_632 : i32
        %add3A_767 = arith.constant 1 : i32
        %add3A_768 = arith.addi %mul3A_766, %add3A_767 : i32
        %get3A_769 = arith.index_cast %add3A_768 : i32 to index
        %get3A_770 = arith.constant 32 : index
        %get3A_771 = tpu.vector_load %arg12[%get3A_769, %get3A_770] {strides = array<i32>} : memref<128x64xf32, #tpu.memory_space<vmem>>, vector<1x16xf32>,
        %get3A_772 = vector.shape_cast %get3A_771 : vector<1x16xf32> to vector<16xf32>
        %mul3A_773 = arith.constant 2 : i32
        %mul3A_774 = arith.muli %mul3A_773, %add3A_632 : i32
        %add3A_775 = arith.constant 1 : i32
        %add3A_776 = arith.addi %mul3A_774, %add3A_775 : i32
        %get3A_777 = arith.index_cast %add3A_776 : i32 to index
        %get3A_778 = arith.constant 32 : index
        %get3A_779 = tpu.vector_load %arg13[%get3A_777, %get3A_778] {strides = array<i32>} : memref<128x64xf32, #tpu.memory_space<vmem>>, vector<1x16xf32>,
        %get3A_780 = vector.shape_cast %get3A_779 : vector<1x16xf32> to vector<16xf32>
        %add3A_781 = arith.addf %get3A_772, %get3A_780 : vector<16xf32>
        %swap3A_782 = arith.index_cast %add3A_632 : i32 to index
        %swap3A_783 = arith.constant 96 : index
        %swap3A_784 = tpu.vector_load %arg14[%swap3A_782, %swap3A_783] {strides = array<i32>} : memref<64x128xf32, #tpu.memory_space<vmem>>, vector<1x16xf32>,
        %swap3A_785 = vector.shape_cast %swap3A_784 : vector<1x16xf32> to vector<16xf32>
        %swap3A_786 = vector.shape_cast %add3A_781 : vector<16xf32> to vector<1x16xf32>
        tpu.vector_store %arg14[%swap3A_782, %swap3A_783], %swap3A_786 {strides = array<i32>} : memref<64x128xf32, #tpu.memory_space<vmem>>, vector<1x16xf32>,
        %mul3A_787 = arith.constant 2 : i32
        %mul3A_788 = arith.muli %mul3A_787, %add3A_632 : i32
        %add3A_789 = arith.constant 1 : i32
        %add3A_790 = arith.addi %mul3A_788, %add3A_789 : i32
        %get3A_791 = arith.index_cast %add3A_790 : i32 to index
        %get3A_792 = arith.constant 48 : index
        %get3A_793 = tpu.vector_load %arg12[%get3A_791, %get3A_792] {strides = array<i32>} : memref<128x64xf32, #tpu.memory_space<vmem>>, vector<1x16xf32>,
        %get3A_794 = vector.shape_cast %get3A_793 : vector<1x16xf32> to vector<16xf32>
        %mul3A_795 = arith.constant 2 : i32
        %mul3A_796 = arith.muli %mul3A_795, %add3A_632 : i32
        %add3A_797 = arith.constant 1 : i32
        %add3A_798 = arith.addi %mul3A_796, %add3A_797 : i32
        %get3A_799 = arith.index_cast %add3A_798 : i32 to index
        %get3A_800 = arith.constant 48 : index
        %get3A_801 = tpu.vector_load %arg13[%get3A_799, %get3A_800] {strides = array<i32>} : memref<128x64xf32, #tpu.memory_space<vmem>>, vector<1x16xf32>,
        %get3A_802 = vector.shape_cast %get3A_801 : vector<1x16xf32> to vector<16xf32>
        %add3A_803 = arith.addf %get3A_794, %get3A_802 : vector<16xf32>
        %swap3A_804 = arith.index_cast %add3A_632 : i32 to index
        %swap3A_805 = arith.constant 112 : index
        %swap3A_806 = tpu.vector_load %arg14[%swap3A_804, %swap3A_805] {strides = array<i32>} : memref<64x128xf32, #tpu.memory_space<vmem>>, vector<1x16xf32>,
        %swap3A_807 = vector.shape_cast %swap3A_806 : vector<1x16xf32> to vector<16xf32>
        %swap3A_808 = vector.shape_cast %add3A_803 : vector<16xf32> to vector<1x16xf32>
        tpu.vector_store %arg14[%swap3A_804, %swap3A_805], %swap3A_808 {strides = array<i32>} : memref<64x128xf32, #tpu.memory_space<vmem>>, vector<1x16xf32>,
      }
      %scan3A_80 = arith.constant 64 : i32
      %add3A_81 = arith.addi %mul3A_2, %add3A_63 : i32
      %mul3A_82 = arith.constant 64 : i32
      %mul3A_83 = arith.muli %add3A_81, %mul3A_82 : i32
      "tpu.region"() ({
        %run_scoped3A = tpu.sem_alloc : memref<!tpu.dma_semaphore, #tpu.memory_space<semaphore_mem>>
        %dma_start3A_84 = arith.constant 0 : i32
        %dma_start3A_85 = tpu.memref_slice %arg6[%mul3A_83, %dma_start3A_84] : memref<20480x128xf32, #tpu.memory_space<hbm>> -> memref<64x128xf32, #tpu.memory_space<hbm>>
        %dma_start3A_86 = arith.constant 0 : i32
        %dma_start3A_87 = tpu.memref_slice %arg6[%mul3A_83, %dma_start3A_86] : memref<20480x128xf32, #tpu.memory_space<hbm>> -> memref<64x128xf32, #tpu.memory_space<hbm>>
        tpu.enqueue_dma source(%arg14 : memref<64x128xf32, #tpu.memory_space<vmem>>) target(%dma_start3A_87 : memref<64x128xf32, #tpu.memory_space<hbm>>) target_semaphore(%run_scoped3A : memref<!tpu.dma_semaphore, #tpu.memory_space<semaphore_mem>>)
        %dma_wait3A_88 = arith.constant 0 : i32
        %dma_wait3A_89 = tpu.memref_slice %arg6[%mul3A_83, %dma_wait3A_88] : memref<20480x128xf32, #tpu.memory_space<hbm>> -> memref<64x128xf32, #tpu.memory_space<hbm>>
        %dma_wait3A_90 = arith.constant 0 : i32
        %dma_wait3A_91 = tpu.memref_slice %arg6[%mul3A_83, %dma_wait3A_90] : memref<20480x128xf32, #tpu.memory_space<hbm>> -> memref<64x128xf32, #tpu.memory_space<hbm>>
        tpu.wait_dma2 semaphore(%run_scoped3A : memref<!tpu.dma_semaphore, #tpu.memory_space<semaphore_mem>>) src(%arg14 : memref<64x128xf32, #tpu.memory_space<vmem>>) dst(%dma_wait3A_91 : memref<64x128xf32, #tpu.memory_space<hbm>>)
        tpu.yield
      }) : () -> ()
    }
    %scan3A_19 = arith.constant 5 : i32
    return
  }
}

</mosaic_0001>

<sc_bundles>
// kernel: _sc_gather_add.3.cloned.1.call-start
scs
__scs_entry_jumppad:
0x0: {  	(pc) =	sbr.rel $0x88, $3  }
0x1: {  	(tag) =	ssettag $0x0;
	lr =	simm.s32 $0x1  }
0x2: {  	[smem:$0x3F9D] =	sst lr;
	_ =	strace $0xD0000000  }
0x3: {  	_ = 	snop  }
0x4: {  	_ = 	snop  }
0x5: {  	_ = 	snop  }
0x6: {  	_ = 	snop  }
0x7: {  	_ = 	snop  }
__scs_overlays_trampoline_lowered:
0x8: {  	[smem:$0x3FAC] =	sst s0  }
0x9: {  	[smem:$0x3FAD] =	sst s1  }
0xa: {  	[smem:$0x3FAE] =	sst s2  }
0xb: {  	[smem:$0x3FAF] =	sst s3  }
0xc: {  	[smem:$0x3FB0] =	sst s4  }
0xd: {  	[smem:$0x3FB1] =	sst s5  }
0xe: {  	[smem:$0x3FB2] =	sst s6  }
0xf: {  	[smem:$0x3FB3] =	sst s7  }
0x10: {  	[smem:$0x3FB4] =	sst s8  }
0x11: {  	[smem:$0x3FB5] =	sst s9;
	s0 =	simm.s32 @!p0 $0x0  }
0x12: {  	s1 =	sld [smem:$0x3F9B];
	s0 =	simm.s32 @p0 $0x1  }
0x13: {  	[smem:$0x3FB6] =	sst s0;
	s0 =	simm.s32 @!p1 $0x0  }
0x14: {  	s2 =	sld [smem:$0x3F9A];
	s0 =	simm.s32 @p1 $0x1  }
0x15: {  	[smem:$0x3FB7] =	sst s0;
	s0 =	simm.s32 @!p2 $0x0  }
0x16: {  	s3 =	sld [smem:$0x3FDB];
	s0 =	simm.s32 @p2 $0x1  }
0x17: {  	s4 =	simm.s32 $0x1BF5;
	[smem:$0x3FB9] =	sst s0  }
0x18: {  	s0 =	sld [smem:$0x3F9C];
	_ =	swait.ge [sflag:s4], $0x0  }
0x19: {  	s7 =	sld [smem:$0x3F9D]  }
0x1a: {  	s8 =	sadd.s32 $0xFFFFE003, lr  }
0x1b: {  	s9 =	sadd.s32 $0xFFFFFEF7, lr;
	s5 =	simm.s32 $0xFFFFFFFF;
	p2 =	slt.u32 s8, $0xFFFFF086  }
0x1c: {  	p1 =	slt.u32 s9, $0xF7A;
	s5 =	simm.s32 @!p2 $0x0  }
0x1d: {  	s5 =	simm.s32 @p1 $0x1;
	p0 =	seq.s32 s7, s2  }
0x1e: {  	s7 =	smul.u32 @!p0 $0xF7A, s2;
	p2 =	seq.s32 @!p0 s5, $0x0  }
0x1f: {  	s9 =	smul.u32 $0xF7A, s1;
	s8 =	simm.s32 @!p0 $0x1BF5;
	p2 =	por !p2, p0  }
0x20: {  	[sflag:s8] =	ssyncset.s32 @!p0 $0xFFFFF086;
	s6 =	sadd.s32 @!p0 s3, s7;
	s7 =	simm.s32 @!p0 $0x108  }
0x21: {  	s3 =	sadd.s32 s3, s9;
	s6 =	sadd.s32 @!p0 $0x88, s6;
	s7 =	simm.s32 @p2 $0x1082  }
0x22: {  	[simem:s7], [sflag:s8] =	dma.local @!p0 [hbm:s6], $0xF7A  }
0x23: {  	s9 =	sor.u32 $0xD0000000, s2;
	s6 =	simm.s32 $0x108;
	_ =	swait.ge @!p0 [sflag:s8], $0x0  }
0x24: {  	s3 =	sadd.s32 $0x88, s3;
	s6 =	simm.s32 @!p1 $0x1082;
	[sflag:s4] =	ssyncset.s32 $0xFFFFF086  }
0x25: {  	[simem:s6], [sflag:s4] =	dma.local [hbm:s3], $0xF7A  }
0x26: {  	[smem:$0x3F9D] =	sst s1;
	(tag) =	ssettag s2;
	_ =	strace s9  }
0x27: {  	s1 =	sld [smem:$0x3FAD]  }
0x28: {  	s2 =	sld [smem:$0x3FAE]  }
0x29: {  	s4 =	sld [smem:$0x3FB0]  }
0x2a: {  	p0 =	seq.s32 s5, $0x0;
	s5 =	sld [smem:$0x3FB1]  }
0x2b: {  	s6 =	sld [smem:$0x3FB2]  }
0x2c: {  	s7 =	sld [smem:$0x3FB3]  }
0x2d: {  	s3 =	simm.s32 $0x108;
	s8 =	sld [smem:$0x3FB4]  }
0x2e: {  	s3 =	simm.s32 @!p0 $0x1082;
	s9 =	sld [smem:$0x3FB5]  }
0x2f: {  	lr =	sadd.s32 s0, s3;
	s0 =	sld [smem:$0x3FAC]  }
0x30: {  	s3 =	sld [smem:$0x3FAF]  }
0x31: {  	[smem:$0x3FB8] =	sst s10  }
0x32: {  	s10 =	sld [smem:$0x3FB6];
	_ =	sdelay $0x3  }
0x33: {  	p0 =	seq.s32 s10, $0x1;
	s10 =	sld [smem:$0x3FB8];
	_ =	sdelay $0x3  }
0x34: {  	[smem:$0x3FB8] =	sst s10  }
0x35: {  	s10 =	sld [smem:$0x3FB7];
	_ =	sdelay $0x3  }
0x36: {  	p1 =	seq.s32 s10, $0x1;
	s10 =	sld [smem:$0x3FB8];
	_ =	sdelay $0x3  }
0x37: {  	[smem:$0x3FB8] =	sst s10  }
0x38: {  	s10 =	sld [smem:$0x3FB9]  }
0x39: {  	_ = 	snop;
	(pc) =	sbr.ind lr, $3  }
0x3a: {  	_ = 	snop  }
0x3b: {  	_ = 	snop  }
0x3c: {  	p2 =	seq.s32 s10, $0x1;
	s10 =	sld [smem:$0x3FB8]  }
0x3d: {  	_ =	shalt  }
0x3e: {  	_ =	shalt  }
0x3f: {  	_ =	shalt  }
0x40: {  	_ =	shalt  }
0x41: {  	_ =	shalt  }
0x42: {  	_ =	shalt  }
0x43: {  	_ =	shalt  }
0x44: {  	_ =	shalt  }
0x45: {  	_ =	shalt  }
0x46: {  	_ =	shalt  }
0x47: {  	_ =	shalt  }
0x48: {  	_ =	shalt  }
0x49: {  	_ =	shalt  }
0x4a: {  	_ =	shalt  }
0x4b: {  	_ =	shalt  }
0x4c: {  	_ =	shalt  }
0x4d: {  	_ =	shalt  }
0x4e: {  	_ =	shalt  }
0x4f: {  	_ =	shalt  }
0x50: {  	_ =	shalt  }
0x51: {  	_ =	shalt  }
0x52: {  	_ =	shalt  }
0x53: {  	_ =	shalt  }
0x54: {  	_ =	shalt  }
0x55: {  	_ =	shalt  }
0x56: {  	_ =	shalt  }
0x57: {  	_ =	shalt  }
0x58: {  	_ =	shalt  }
0x59: {  	_ =	shalt  }
0x5a: {  	_ =	shalt  }
0x5b: {  	_ =	shalt  }
0x5c: {  	_ =	shalt  }
0x5d: {  	_ =	shalt  }
0x5e: {  	_ =	shalt  }
0x5f: {  	_ =	shalt  }
0x60: {  	_ =	shalt  }
0x61: {  	_ =	shalt  }
0x62: {  	_ =	shalt  }
0x63: {  	_ =	shalt  }
0x64: {  	_ =	shalt  }
0x65: {  	_ =	shalt  }
0x66: {  	_ =	shalt  }
0x67: {  	_ =	shalt  }
0x68: {  	_ =	shalt  }
0x69: {  	_ =	shalt  }
0x6a: {  	_ =	shalt  }
0x6b: {  	_ =	shalt  }
0x6c: {  	_ =	shalt  }
0x6d: {  	_ =	shalt  }
0x6e: {  	_ =	shalt  }
0x6f: {  	_ =	shalt  }
0x70: {  	_ =	shalt  }
0x71: {  	_ =	shalt  }
0x72: {  	_ =	shalt  }
0x73: {  	_ =	shalt  }
0x74: {  	_ =	shalt  }
0x75: {  	_ =	shalt  }
0x76: {  	_ =	shalt  }
0x77: {  	_ =	shalt  }
0x78: {  	_ =	shalt  }
0x79: {  	_ =	shalt  }
0x7a: {  	_ =	shalt  }
0x7b: {  	_ =	shalt  }
0x7c: {  	_ =	shalt  }
0x7d: {  	_ =	shalt  }
0x7e: {  	_ =	shalt  }
0x7f: {  	_ =	shalt  }
0x80: {  	_ =	shalt  }
0x81: {  	_ =	shalt  }
0x82: {  	_ =	shalt  }
0x83: {  	_ =	shalt  }
0x84: {  	_ =	shalt  }
0x85: {  	_ =	shalt  }
0x86: {  	_ =	shalt  }
0x87: {  	_ =	shalt  }
.Lfunc_end0:
.L_simem_size_0:
called_computation_lowered:
.L_overlay_start_0:
0x88: {  	s2 =	sld [smem:$0x3FD9]  }
0x89: {  	s3 =	sld [smem:$0x3FFE];
	_ =	sdelay $0x1  }
0x8a: {  	s1 =	srdreg.scid  }
0x8b: {  	s0 =	sand.u32 $0x1, s1  }
0x8c: {  	s17 =	sshll.u32 s0, $0xA;
	s2 =	sadd.s32 s3, s2  }
0x8d: {  	s2 =	sadd.s32 s2, s17  }
0x8e: {  	[smem:$0x3FC4] =	sst s2  }
0x8f: {  	_ = 	snop  }
0x90: {  	s2 =	sld [smem:$0x3FC7]  }
0x91: {  	s18 =	sld [smem:$0x3FC6]  }
0x92: {  	s4 =	sld [smem:$0x3FD0];
	(tm) =	ssettm $0x1  }
0x93: {  	s5 =	sld [smem:$0x3FFB];
	_ =	sdelay $0x3  }
0x94: {  	_ =	strace s5  }
0x95: {  	s5 =	sld [smem:$0x3FFC];
	_ =	sdelay $0x3  }
0x96: {  	_ =	strace s5  }
0x97: {  	s5 =	sld [smem:$0x3FFD];
	_ =	sdelay $0x3  }
0x98: {  	_ =	strace s5  }
0x99: {  	_ =	strace $0x8FFFFFFF  }
0x9a: {  	s19 =	sld [smem:$0x3FDB];
	_ =	sdelay $0x1  }
0x9b: {  	s6 =	simm.s32 $_scs_section_size  }
0x9c: {  	s7 =	simm.s32 $_size__tile_overlayer_lowered;
	s8 =	simm.s32 $_tile_overlayer_lowered  }
0x9d: {  	s22 =	simm.s32 $0x1BFF;
	s21 =	sshll.u32 s8, $0x1;
	s5 =	sadd.s32 s6, s19  }
0x9e: {  	s9 =	simm.s32 $0x0;
	s20 =	sshll.u32 s7, $0x1;
	s7 =	sadd.s32 s21, s5  }
0x9f: {  	[timem:s9], [sflag:s22] =	dma.local [hbm:s7], s20  }
0xa0: {  	_ =	swait.ge [sflag:s22], s20  }
0xa1: {  	s6 =	ssub.s32 $0x0, s20;
	[sflag:s22] =	ssyncset.done $0x0  }
0xa2: {  	[sflag:s22] =	ssyncadd.s32 s6;
	_ =	sdelay $0x1  }
0xa3: {  	s23 =	simm.s32 $0x1B8B  }
0xa4: {  	_ =	swait.ge [sflag:s23], $0x1  }
0xa5: {  	[sflag:s23] =	ssyncset.done $0x0  }
0xa6: {  	s25 =	simm.s32 $0x1B8E;
	s24 =	sld [smem:$0x3FFE];
	[sflag:s23] =	ssyncadd.s32 $0xFFFFFFFF  }
0xa7: {  	s26 =	simm.s32 $execute0_lowered;
	[smem:$0x3FD2] =	sst s25  }
0xa8: {  	s7 =	sshll.u32 s26, $0x1;
	_ =	strace $0x80000046;
	[dreg:$0x1] =	wrdreg $0xFFFFFFFF  }
0xa9: {  	s28 =	simm.s32 $_size_execute0_lowered;
	s5 =	sadd.s32 s5, s7;
	[dreg:$0x0] =	wrdreg $0x0  }
0xaa: {  	s7 =	sshll.u32 s28, $0x1;
	[dreg:$0x2] =	wrdreg s5  }
0xab: {  	[dreg:$0x3] =	wrdreg s7  }
0xac: {  	[dreg:$0x4] =	wrdreg $0xC0  }
0xad: {  	_ =	task [dreg:s9], $0x5FFFF  }
0xae: {  	[dreg:$0x1] =	wrdreg $0xFFFFFFFF  }
0xaf: {  	[dreg:$0x0] =	wrdreg $0x60  }
0xb0: {  	[dreg:$0x2] =	wrdreg s24  }
0xb1: {  	[dreg:$0x3] =	wrdreg s2  }
0xb2: {  	[dreg:$0x4] =	wrdreg s18  }
0xb3: {  	[dreg:$0x5] =	wrdreg s4  }
0xb4: {  	[dreg:$0x6] =	wrdreg $0x9  }
0xb5: {  	_ =	task.clear_ibuf [dreg:s9], $0x7FFFF;
	_ =	strace $0x90000046  }
0xb6: {  	s29 =	simm.s32 $0x9;
	_ =	strace $0x80000048  }
0xb7: {  	_ =	swait.ge [sflag:s29], $0x1  }
0xb8: {  	[sflag:s29] =	ssyncadd.s32 $0xFFFFFFFF  }
0xb9: {  	_ =	strace $0x90000048  }
0xba: {  	_ =	sfence  }
0xbb: {  	s30 =	sld [smem:$0x0];
	_ =	sdelay $0x2  }
0xbc: {  	s31 =	sshll.u32 s1, $0xD;
	s1 =	sshrl.u32 s1, $0x2  }
0xbd: {  	s3 =	sand.u32 $0x4000, s31;
	s1 =	sadd.s32 s1, s30  }
0xbe: {  	s0 =	sor.u32 s3, s0;
	s1 =	sshll.u32 s1, $0x11  }
0xbf: {  	s0 =	sor.u32 s1, s0  }
0xc0: {  	s0 =	sadd.s32 $0x8F2B, s0  }
0xc1: {  	[sflag:s0] =	ssyncadd.remote.s32 $0x1  }
0xc2: {  	_ =	sfence.sel $0xFFFF  }
0xc3: {  	[dreg:$0x0] =	wrdreg $0xFFFFFFFF;
	(pc) =	sbr.abs _section_cstart, $3  }
0xc4: {  	[dreg:$0x1] =	wrdreg $0xFFFFFFFF  }
0xc5: {  	_ =	task.clear_ibuf [dreg:s9], $0x2FFFF;
	_ =	strace $0x9FFFFFFF  }
0xc6: {  	(tm) =	ssettm $0x7FFFFFFF  }
0xc7: {  	_ =	shalt  }
tec
execute0_lowered:
.L_overlay_start_1:
0x0: {  	(tag) =	ssettag $0x1  }
0x1: {  	s0 =	rddreg [dreg:$0x0]  }
0x2: {  	s7 =	rddreg [dreg:$0x1]  }
0x3: {  	s8 =	rddreg [dreg:$0x2]  }
0x4: {  	s2 =	rddreg [dreg:$0x3]  }
0x5: {  	s3 =	simm.s32 $0x0;
	s4 =	srdreg.scid;
	s1 =	stileid.u32  }
0x6: {  	s12 =	simm.s32 $0x80;
	s13 =	simm.s32 $0xA00;
	s14 =	simm.s32 $0x2A00  }
0x7: {  	s15 =	simm.s32 $0x6A00;
	s16 =	simm.s32 $0x8A00;
	s17 =	simm.s32 $0x1  }
0x8: {  	s18 =	simm.s32 $0x4A00;
	s19 =	simm.s32 $0x2;
	s20 =	simm.s32 $0xAA00  }
0x9: {  	s21 =	simm.s32 $0x0;
	s4 =	sand.u32 $0x1, s4;
	s5 =	sshll.u32 s1, $0x1  }
0xa: {  	[smem:$0x7FF] =	sst s3;
	s6 =	ssub.s32 $0x2, s4;
	s9 =	sor.u32 s4, s5  }
0xb: {  	_ =	strace $0x80000047;
	s10 =	sshrl.u32 s6, $0x1;
	s11 =	smul.u32 $0xA0, s9  }
0xc: {  	s4 =	sadd.s32 $0x4400, s0;
	s5 =	sadd.s32 $0x400, s0;
	s31 =	ssub.s32 s6, s10  }
0xd: {  	s6 =	smul.u32 $0xA, s9;
	s10 =	simm.s32 $0x3;
	s7 =	sadd.s32 s7, s11  }
0xe: {  	s8 =	sadd.s32 s8, s11;
	s9 =	smax.u32 s31, $0x1;
	s11 =	simm.s32 $0x500  }
.LBB2_1:
0xf: {  	[tilespmem:s3], [sflag:$0x3] =	stream.linear.gather [hbm4b:s7+s3], $0x500, $0x38;
	[tilespmem:$0xCA00] =	vst v63  }
0x10: {  	_ =	swait.ge [sflag:s10], $0x500  }
0x11: {  	[sflag:s10] =	ssyncset.done $0x0  }
0x12: {  	[sflag:s10] =	ssyncadd.s32 $0xFFFFFB00  }
0x13: {  	[tilespmem:s11], [sflag:$0x3] =	stream.linear.gather [hbm4b:s8+s3], $0x500, $0x38;
	[tilespmem:$0xCA00] =	vst v63  }
0x14: {  	_ =	swait.ge [sflag:s10], $0x500  }
0x15: {  	[sflag:s10] =	ssyncset.done $0x0  }
0x16: {  	[sflag:s10] =	ssyncadd.s32 $0xFFFFFB00  }
0x17: {  	[tilespmem:s13], [sflag:$0x1] =	stream.indirect.gather [hbm4b:s4+s12], $0x40, s3, s12, $0xb8;
	[tilespmem:$0xCA00] =	vst v63  }
0x18: {  	s22 =	simm.s32 $0x0  }
0x19: {  	[tilespmem:s14], [sflag:$0x1] =	stream.indirect.gather [hbm4b:s5+s12], $0x40, s11, s12, $0xb8;
	[tilespmem:$0xCA00] =	vst v63  }
.LBB2_2:
0x1a: {  	s23 =	sshllo.u32 s22, $0x1  }
0x1b: {  	s0 =	sshll.u32 s23, $0x7  }
0x1c: {  	[tilespmem:s15], [sflag:$0x2] =	stream.indirect.gather [hbm4b:s4+s12], $0x40, s0, s12, $0xb8;
	[tilespmem:$0xCA00] =	vst v63  }
0x1d: {  	s0 =	sadd.s32 $0x500, s0  }
0x1e: {  	[tilespmem:s16], [sflag:$0x2] =	stream.indirect.gather [hbm4b:s5+s12], $0x40, s0, s12, $0xb8;
	[tilespmem:$0xCA00] =	vst v63  }
0x1f: {  	_ =	swait.ge [sflag:s17], $0x2000  }
0x20: {  	[sflag:s17] =	ssyncset.done $0x0  }
0x21: {  	[sflag:s17] =	ssyncadd.s32 $0xFFFFE000  }
0x22: {  	_ =	swait.ge [sflag:s17], $0x2000  }
0x23: {  	[sflag:s17] =	ssyncset.done $0x0  }
0x24: {  	s25 =	simm.s32 $0xB00;
	[sflag:s17] =	ssyncadd.s32 $0xFFFFE000  }
0x25: {  	s26 =	simm.s32 $0x2B00;
	v0 =	vld [tilespmem:s25+$0xFFFFFF00]  }
0x26: {  	v1 =	vld [tilespmem:s26+$0xFFFFFF00];
	_ =	sdelay $0x4  }
0x27: {  	v0 =	vadd.f32 v1, v0  }
0x28: {  	s24 =	simm.s32 $0x4B00  }
0x29: {  	[tilespmem:s24+$0xFFFFFF00] =	vst v0  }
0x2a: {  	v0 =	vld [tilespmem:s26+$0xFFFFFF10]  }
0x2b: {  	v1 =	vld [tilespmem:s25+$0xFFFFFF10];
	_ =	sdelay $0x4  }
0x2c: {  	v0 =	vadd.f32 v0, v1;
	_ =	sdelay $0x1  }
0x2d: {  	[tilespmem:s24+$0xFFFFFF10] =	vst v0  }
0x2e: {  	v0 =	vld [tilespmem:s25+$0xFFFFFF20]  }
0x2f: {  	v1 =	vld [tilespmem:s26+$0xFFFFFF20];
	_ =	sdelay $0x4  }
0x30: {  	v0 =	vadd.f32 v1, v0;
	_ =	sdelay $0x1  }
0x31: {  	[tilespmem:s24+$0xFFFFFF20] =	vst v0  }
0x32: {  	v0 =	vld [tilespmem:s25+$0xFFFFFF30]  }
0x33: {  	v1 =	vld [tilespmem:s26+$0xFFFFFF30];
	_ =	sdelay $0x4  }
0x34: {  	v0 =	vadd.f32 v1, v0;
	_ =	sdelay $0x1  }
0x35: {  	[tilespmem:s24+$0xFFFFFF30] =	vst v0  }
0x36: {  	v0 =	vld [tilespmem:s25+$0xFFFFFF40]  }
0x37: {  	v1 =	vld [tilespmem:s26+$0xFFFFFF40];
	_ =	sdelay $0x4  }
0x38: {  	v0 =	vadd.f32 v1, v0;
	_ =	sdelay $0x1  }
0x39: {  	[tilespmem:s24+$0xFFFFFF40] =	vst v0  }
0x3a: {  	v0 =	vld [tilespmem:s25+$0xFFFFFF50]  }
0x3b: {  	v1 =	vld [tilespmem:s26+$0xFFFFFF50];
	_ =	sdelay $0x4  }
0x3c: {  	v0 =	vadd.f32 v1, v0;
	_ =	sdelay $0x1  }
0x3d: {  	[tilespmem:s24+$0xFFFFFF50] =	vst v0  }
0x3e: {  	v0 =	vld [tilespmem:s25+$0xFFFFFF60]  }
0x3f: {  	v1 =	vld [tilespmem:s26+$0xFFFFFF60];
	_ =	sdelay $0x4  }
0x40: {  	v0 =	vadd.f32 v1, v0;
	_ =	sdelay $0x1  }
0x41: {  	[tilespmem:s24+$0xFFFFFF60] =	vst v0  }
0x42: {  	v0 =	vld [tilespmem:s25+$0xFFFFFF70]  }
0x43: {  	v1 =	vld [tilespmem:s26+$0xFFFFFF70];
	_ =	sdelay $0x4  }
0x44: {  	v0 =	vadd.f32 v1, v0;
	_ =	sdelay $0x1  }
0x45: {  	[tilespmem:s24+$0xFFFFFF70] =	vst v0  }
0x46: {  	v0 =	vld [tilespmem:s25+$0xFFFFFF80]  }
0x47: {  	v1 =	vld [tilespmem:s26+$0xFFFFFF80];
	_ =	sdelay $0x4  }
0x48: {  	v0 =	vadd.f32 v1, v0;
	_ =	sdelay $0x1  }
0x49: {  	[tilespmem:s24+$0xFFFFFF80] =	vst v0  }
0x4a: {  	v0 =	vld [tilespmem:s25+$0xFFFFFF90]  }
0x4b: {  	v1 =	vld [tilespmem:s26+$0xFFFFFF90];
	_ =	sdelay $0x4  }
0x4c: {  	v0 =	vadd.f32 v1, v0;
	_ =	sdelay $0x1  }
0x4d: {  	[tilespmem:s24+$0xFFFFFF90] =	vst v0  }
0x4e: {  	v0 =	vld [tilespmem:s25+$0xFFFFFFA0]  }
0x4f: {  	v1 =	vld [tilespmem:s26+$0xFFFFFFA0];
	_ =	sdelay $0x4  }
0x50: {  	v0 =	vadd.f32 v1, v0;
	_ =	sdelay $0x1  }
0x51: {  	[tilespmem:s24+$0xFFFFFFA0] =	vst v0  }
0x52: {  	v0 =	vld [tilespmem:s25+$0xFFFFFFB0]  }
0x53: {  	v1 =	vld [tilespmem:s26+$0xFFFFFFB0];
	_ =	sdelay $0x4  }
0x54: {  	v0 =	vadd.f32 v1, v0;
	_ =	sdelay $0x1  }
0x55: {  	[tilespmem:s24+$0xFFFFFFB0] =	vst v0  }
0x56: {  	v0 =	vld [tilespmem:s25+$0xFFFFFFC0]  }
0x57: {  	v1 =	vld [tilespmem:s26+$0xFFFFFFC0];
	_ =	sdelay $0x4  }
0x58: {  	v0 =	vadd.f32 v1, v0;
	_ =	sdelay $0x1  }
0x59: {  	[tilespmem:s24+$0xFFFFFFC0] =	vst v0  }
0x5a: {  	v0 =	vld [tilespmem:s25+$0xFFFFFFD0]  }
0x5b: {  	v1 =	vld [tilespmem:s26+$0xFFFFFFD0];
	_ =	sdelay $0x4  }
0x5c: {  	v0 =	vadd.f32 v1, v0;
	_ =	sdelay $0x1  }
0x5d: {  	[tilespmem:s24+$0xFFFFFFD0] =	vst v0  }
0x5e: {  	v0 =	vld [tilespmem:s25+$0xFFFFFFE0]  }
0x5f: {  	v1 =	vld [tilespmem:s26+$0xFFFFFFE0];
	_ =	sdelay $0x4  }
0x60: {  	v0 =	vadd.f32 v1, v0;
	_ =	sdelay $0x1  }
0x61: {  	[tilespmem:s24+$0xFFFFFFE0] =	vst v0  }
0x62: {  	v0 =	vld [tilespmem:s25+$0xFFFFFFF0]  }
0x63: {  	v1 =	vld [tilespmem:s26+$0xFFFFFFF0];
	_ =	sdelay $0x4  }
0x64: {  	v0 =	vadd.f32 v1, v0;
	_ =	sdelay $0x1  }
0x65: {  	[tilespmem:s24+$0xFFFFFFF0] =	vst v0  }
0x66: {  	v0 =	vld [tilespmem:s25+$0x0]  }
0x67: {  	v1 =	vld [tilespmem:s26+$0x0];
	_ =	sdelay $0x4  }
0x68: {  	v0 =	vadd.f32 v1, v0;
	_ =	sdelay $0x1  }
0x69: {  	[tilespmem:s24+$0x0] =	vst v0  }
0x6a: {  	v0 =	vld [tilespmem:s25+$0x10]  }
0x6b: {  	v1 =	vld [tilespmem:s26+$0x10];
	_ =	sdelay $0x4  }
0x6c: {  	v0 =	vadd.f32 v1, v0;
	_ =	sdelay $0x1  }
0x6d: {  	[tilespmem:s24+$0x10] =	vst v0  }
0x6e: {  	v0 =	vld [tilespmem:s25+$0x20]  }
0x6f: {  	v1 =	vld [tilespmem:s26+$0x20];
	_ =	sdelay $0x4  }
0x70: {  	v0 =	vadd.f32 v1, v0;
	_ =	sdelay $0x1  }
0x71: {  	[tilespmem:s24+$0x20] =	vst v0  }
0x72: {  	v0 =	vld [tilespmem:s25+$0x30]  }
0x73: {  	v1 =	vld [tilespmem:s26+$0x30];
	_ =	sdelay $0x4  }
0x74: {  	v0 =	vadd.f32 v1, v0;
	_ =	sdelay $0x1  }
0x75: {  	[tilespmem:s24+$0x30] =	vst v0  }
0x76: {  	v0 =	vld [tilespmem:s25+$0x40]  }
0x77: {  	v1 =	vld [tilespmem:s26+$0x40];
	_ =	sdelay $0x4  }
0x78: {  	v0 =	vadd.f32 v1, v0;
	_ =	sdelay $0x1  }
0x79: {  	[tilespmem:s24+$0x40] =	vst v0  }
0x7a: {  	v0 =	vld [tilespmem:s25+$0x50]  }
0x7b: {  	v1 =	vld [tilespmem:s26+$0x50];
	_ =	sdelay $0x4  }
0x7c: {  	v0 =	vadd.f32 v1, v0;
	_ =	sdelay $0x1  }
0x7d: {  	[tilespmem:s24+$0x50] =	vst v0  }
0x7e: {  	v0 =	vld [tilespmem:s25+$0x60]  }
0x7f: {  	v1 =	vld [tilespmem:s26+$0x60];
	_ =	sdelay $0x4  }
0x80: {  	v0 =	vadd.f32 v1, v0;
	_ =	sdelay $0x1  }
0x81: {  	[tilespmem:s24+$0x60] =	vst v0  }
0x82: {  	v0 =	vld [tilespmem:s25+$0x70]  }
0x83: {  	v1 =	vld [tilespmem:s26+$0x70];
	_ =	sdelay $0x4  }
0x84: {  	v0 =	vadd.f32 v1, v0;
	_ =	sdelay $0x1  }
0x85: {  	[tilespmem:s24+$0x70] =	vst v0  }
0x86: {  	v0 =	vld [tilespmem:s25+$0x80]  }
0x87: {  	v1 =	vld [tilespmem:s26+$0x80];
	_ =	sdelay $0x4  }
0x88: {  	v0 =	vadd.f32 v1, v0;
	_ =	sdelay $0x1  }
0x89: {  	[tilespmem:s24+$0x80] =	vst v0  }
0x8a: {  	v0 =	vld [tilespmem:s25+$0x90]  }
0x8b: {  	v1 =	vld [tilespmem:s26+$0x90];
	_ =	sdelay $0x4  }
0x8c: {  	v0 =	vadd.f32 v1, v0;
	_ =	sdelay $0x1  }
0x8d: {  	[tilespmem:s24+$0x90] =	vst v0  }
0x8e: {  	v0 =	vld [tilespmem:s25+$0xA0]  }
0x8f: {  	v1 =	vld [tilespmem:s26+$0xA0];
	_ =	sdelay $0x4  }
0x90: {  	v0 =	vadd.f32 v1, v0;
	_ =	sdelay $0x1  }
0x91: {  	[tilespmem:s24+$0xA0] =	vst v0  }
0x92: {  	v0 =	vld [tilespmem:s25+$0xB0]  }
0x93: {  	v1 =	vld [tilespmem:s26+$0xB0];
	_ =	sdelay $0x4  }
0x94: {  	v0 =	vadd.f32 v1, v0;
	_ =	sdelay $0x1  }
0x95: {  	[tilespmem:s24+$0xB0] =	vst v0  }
0x96: {  	v0 =	vld [tilespmem:s25+$0xC0]  }
0x97: {  	v1 =	vld [tilespmem:s26+$0xC0]  }
0x98: {  	s28 =	sshll.u32 s22, $0x1;
	s31 =	simm.s32 $0x0  }
0x99: {  	s29 =	simm.s32 $0xB00;
	s30 =	simm.s32 $0x2B00;
	s0 =	simm.s32 $0x4D00  }
.LBB2_3:
0x9a: {  	s31 =	sadd.s32 $0x4, s31;
	s25 =	sadd.s32 $0x200, s25;
	s26 =	sadd.s32 $0x200, s26  }
0x9b: {  	p0 =	slt.u32 s31, $0x3C  }
0x9c: {  	v0 =	vadd.f32 v1, v0;
	_ =	sdelay $0x1  }
0x9d: {  	[tilespmem:s24+$0xC0] =	vst v0  }
0x9e: {  	v0 =	vld [tilespmem:s29+$0xD0]  }
0x9f: {  	v1 =	vld [tilespmem:s30+$0xD0];
	_ =	sdelay $0x4  }
0xa0: {  	v0 =	vadd.f32 v1, v0;
	_ =	sdelay $0x1  }
0xa1: {  	[tilespmem:s24+$0xD0] =	vst v0  }
0xa2: {  	v0 =	vld [tilespmem:s29+$0xE0]  }
0xa3: {  	v1 =	vld [tilespmem:s30+$0xE0];
	_ =	sdelay $0x4  }
0xa4: {  	v0 =	vadd.f32 v1, v0;
	_ =	sdelay $0x1  }
0xa5: {  	[tilespmem:s24+$0xE0] =	vst v0  }
0xa6: {  	v0 =	vld [tilespmem:s29+$0xF0];
	s29 =	smov.u32 s25  }
0xa7: {  	v1 =	vld [tilespmem:s30+$0xF0];
	s30 =	smov.u32 s26;
	_ =	sdelay $0x4  }
0xa8: {  	v0 =	vadd.f32 v1, v0;
	_ =	sdelay $0x1  }
0xa9: {  	[tilespmem:s24+$0xF0] =	vst v0;
	s24 =	smov.u32 s0  }
0xaa: {  	v0 =	vld [tilespmem:s25+$0xFFFFFF00]  }
0xab: {  	v1 =	vld [tilespmem:s26+$0xFFFFFF00];
	_ =	sdelay $0x4  }
0xac: {  	v0 =	vadd.f32 v1, v0;
	_ =	sdelay $0x1  }
0xad: {  	[tilespmem:s0+$0xFFFFFF00] =	vst v0  }
0xae: {  	v0 =	vld [tilespmem:s26+$0xFFFFFF10]  }
0xaf: {  	v1 =	vld [tilespmem:s25+$0xFFFFFF10];
	_ =	sdelay $0x4  }
0xb0: {  	v0 =	vadd.f32 v0, v1;
	_ =	sdelay $0x1  }
0xb1: {  	[tilespmem:s0+$0xFFFFFF10] =	vst v0  }
0xb2: {  	v0 =	vld [tilespmem:s25+$0xFFFFFF20]  }
0xb3: {  	v1 =	vld [tilespmem:s26+$0xFFFFFF20];
	_ =	sdelay $0x4  }
0xb4: {  	v0 =	vadd.f32 v1, v0;
	_ =	sdelay $0x1  }
0xb5: {  	[tilespmem:s0+$0xFFFFFF20] =	vst v0  }
0xb6: {  	v0 =	vld [tilespmem:s25+$0xFFFFFF30]  }
0xb7: {  	v1 =	vld [tilespmem:s26+$0xFFFFFF30];
	_ =	sdelay $0x4  }
0xb8: {  	v0 =	vadd.f32 v1, v0;
	_ =	sdelay $0x1  }
0xb9: {  	[tilespmem:s0+$0xFFFFFF30] =	vst v0  }
0xba: {  	v0 =	vld [tilespmem:s25+$0xFFFFFF40]  }
0xbb: {  	v1 =	vld [tilespmem:s26+$0xFFFFFF40];
	_ =	sdelay $0x4  }
0xbc: {  	v0 =	vadd.f32 v1, v0;
	_ =	sdelay $0x1  }
0xbd: {  	[tilespmem:s0+$0xFFFFFF40] =	vst v0  }
0xbe: {  	v0 =	vld [tilespmem:s25+$0xFFFFFF50]  }
0xbf: {  	v1 =	vld [tilespmem:s26+$0xFFFFFF50];
	_ =	sdelay $0x4  }
0xc0: {  	v0 =	vadd.f32 v1, v0;
	_ =	sdelay $0x1  }
0xc1: {  	[tilespmem:s0+$0xFFFFFF50] =	vst v0  }
0xc2: {  	v0 =	vld [tilespmem:s25+$0xFFFFFF60]  }
0xc3: {  	v1 =	vld [tilespmem:s26+$0xFFFFFF60];
	_ =	sdelay $0x4  }
0xc4: {  	v0 =	vadd.f32 v1, v0;
	_ =	sdelay $0x1  }
0xc5: {  	[tilespmem:s0+$0xFFFFFF60] =	vst v0  }
0xc6: {  	v0 =	vld [tilespmem:s25+$0xFFFFFF70]  }
0xc7: {  	v1 =	vld [tilespmem:s26+$0xFFFFFF70];
	_ =	sdelay $0x4  }
0xc8: {  	v0 =	vadd.f32 v1, v0;
	_ =	sdelay $0x1  }
0xc9: {  	[tilespmem:s0+$0xFFFFFF70] =	vst v0  }
0xca: {  	v0 =	vld [tilespmem:s25+$0xFFFFFF80]  }
0xcb: {  	v1 =	vld [tilespmem:s26+$0xFFFFFF80];
	_ =	sdelay $0x4  }
0xcc: {  	v0 =	vadd.f32 v1, v0;
	_ =	sdelay $0x1  }
0xcd: {  	[tilespmem:s0+$0xFFFFFF80] =	vst v0  }
0xce: {  	v0 =	vld [tilespmem:s25+$0xFFFFFF90]  }
0xcf: {  	v1 =	vld [tilespmem:s26+$0xFFFFFF90];
	_ =	sdelay $0x4  }
0xd0: {  	v0 =	vadd.f32 v1, v0;
	_ =	sdelay $0x1  }
0xd1: {  	[tilespmem:s0+$0xFFFFFF90] =	vst v0  }
0xd2: {  	v0 =	vld [tilespmem:s25+$0xFFFFFFA0]  }
0xd3: {  	v1 =	vld [tilespmem:s26+$0xFFFFFFA0];
	_ =	sdelay $0x4  }
0xd4: {  	v0 =	vadd.f32 v1, v0;
	_ =	sdelay $0x1  }
0xd5: {  	[tilespmem:s0+$0xFFFFFFA0] =	vst v0  }
0xd6: {  	v0 =	vld [tilespmem:s25+$0xFFFFFFB0]  }
0xd7: {  	v1 =	vld [tilespmem:s26+$0xFFFFFFB0];
	_ =	sdelay $0x4  }
0xd8: {  	v0 =	vadd.f32 v1, v0;
	_ =	sdelay $0x1  }
0xd9: {  	[tilespmem:s0+$0xFFFFFFB0] =	vst v0  }
0xda: {  	v0 =	vld [tilespmem:s25+$0xFFFFFFC0]  }
0xdb: {  	v1 =	vld [tilespmem:s26+$0xFFFFFFC0];
	_ =	sdelay $0x4  }
0xdc: {  	v0 =	vadd.f32 v1, v0;
	_ =	sdelay $0x1  }
0xdd: {  	[tilespmem:s0+$0xFFFFFFC0] =	vst v0  }
0xde: {  	v0 =	vld [tilespmem:s25+$0xFFFFFFD0]  }
0xdf: {  	v1 =	vld [tilespmem:s26+$0xFFFFFFD0];
	_ =	sdelay $0x4  }
0xe0: {  	v0 =	vadd.f32 v1, v0;
	_ =	sdelay $0x1  }
0xe1: {  	[tilespmem:s0+$0xFFFFFFD0] =	vst v0  }
0xe2: {  	v0 =	vld [tilespmem:s25+$0xFFFFFFE0]  }
0xe3: {  	v1 =	vld [tilespmem:s26+$0xFFFFFFE0];
	_ =	sdelay $0x4  }
0xe4: {  	v0 =	vadd.f32 v1, v0;
	_ =	sdelay $0x1  }
0xe5: {  	[tilespmem:s0+$0xFFFFFFE0] =	vst v0  }
0xe6: {  	v0 =	vld [tilespmem:s25+$0xFFFFFFF0]  }
0xe7: {  	v1 =	vld [tilespmem:s26+$0xFFFFFFF0];
	_ =	sdelay $0x4  }
0xe8: {  	v0 =	vadd.f32 v1, v0;
	_ =	sdelay $0x1  }
0xe9: {  	[tilespmem:s0+$0xFFFFFFF0] =	vst v0  }
0xea: {  	v0 =	vld [tilespmem:s25+$0x0]  }
0xeb: {  	v1 =	vld [tilespmem:s26+$0x0];
	_ =	sdelay $0x4  }
0xec: {  	v0 =	vadd.f32 v1, v0;
	_ =	sdelay $0x1  }
0xed: {  	[tilespmem:s0+$0x0] =	vst v0  }
0xee: {  	v0 =	vld [tilespmem:s25+$0x10]  }
0xef: {  	v1 =	vld [tilespmem:s26+$0x10];
	_ =	sdelay $0x4  }
0xf0: {  	v0 =	vadd.f32 v1, v0;
	_ =	sdelay $0x1  }
0xf1: {  	[tilespmem:s0+$0x10] =	vst v0  }
0xf2: {  	v0 =	vld [tilespmem:s25+$0x20]  }
0xf3: {  	v1 =	vld [tilespmem:s26+$0x20];
	_ =	sdelay $0x4  }
0xf4: {  	v0 =	vadd.f32 v1, v0;
	_ =	sdelay $0x1  }
0xf5: {  	[tilespmem:s0+$0x20] =	vst v0  }
0xf6: {  	v0 =	vld [tilespmem:s25+$0x30]  }
0xf7: {  	v1 =	vld [tilespmem:s26+$0x30];
	_ =	sdelay $0x4  }
0xf8: {  	v0 =	vadd.f32 v1, v0;
	_ =	sdelay $0x1  }
0xf9: {  	[tilespmem:s0+$0x30] =	vst v0  }
0xfa: {  	v0 =	vld [tilespmem:s25+$0x40]  }
0xfb: {  	v1 =	vld [tilespmem:s26+$0x40];
	_ =	sdelay $0x4  }
0xfc: {  	v0 =	vadd.f32 v1, v0;
	_ =	sdelay $0x1  }
0xfd: {  	[tilespmem:s0+$0x40] =	vst v0  }
0xfe: {  	v0 =	vld [tilespmem:s25+$0x50]  }
0xff: {  	v1 =	vld [tilespmem:s26+$0x50];
	_ =	sdelay $0x4  }
0x100: {  	v0 =	vadd.f32 v1, v0;
	_ =	sdelay $0x1  }
0x101: {  	[tilespmem:s0+$0x50] =	vst v0  }
0x102: {  	v0 =	vld [tilespmem:s25+$0x60]  }
0x103: {  	v1 =	vld [tilespmem:s26+$0x60];
	_ =	sdelay $0x4  }
0x104: {  	v0 =	vadd.f32 v1, v0;
	_ =	sdelay $0x1  }
0x105: {  	[tilespmem:s0+$0x60] =	vst v0  }
0x106: {  	v0 =	vld [tilespmem:s25+$0x70]  }
0x107: {  	v1 =	vld [tilespmem:s26+$0x70];
	_ =	sdelay $0x4  }
0x108: {  	v0 =	vadd.f32 v1, v0;
	_ =	sdelay $0x1  }
0x109: {  	[tilespmem:s0+$0x70] =	vst v0  }
0x10a: {  	v0 =	vld [tilespmem:s25+$0x80]  }
0x10b: {  	v1 =	vld [tilespmem:s26+$0x80];
	_ =	sdelay $0x4  }
0x10c: {  	v0 =	vadd.f32 v1, v0;
	_ =	sdelay $0x1  }
0x10d: {  	[tilespmem:s0+$0x80] =	vst v0  }
0x10e: {  	v0 =	vld [tilespmem:s25+$0x90]  }
0x10f: {  	v1 =	vld [tilespmem:s26+$0x90];
	_ =	sdelay $0x4  }
0x110: {  	v0 =	vadd.f32 v1, v0;
	_ =	sdelay $0x1  }
0x111: {  	[tilespmem:s0+$0x90] =	vst v0  }
0x112: {  	v0 =	vld [tilespmem:s25+$0xA0]  }
0x113: {  	v1 =	vld [tilespmem:s26+$0xA0];
	_ =	sdelay $0x4  }
0x114: {  	v0 =	vadd.f32 v1, v0;
	_ =	sdelay $0x1  }
0x115: {  	[tilespmem:s0+$0xA0] =	vst v0  }
0x116: {  	v0 =	vld [tilespmem:s25+$0xB0]  }
0x117: {  	v1 =	vld [tilespmem:s26+$0xB0];
	_ =	sdelay $0x4  }
0x118: {  	v0 =	vadd.f32 v1, v0;
	_ =	sdelay $0x1  }
.Ltmp0:
0x119: {  	[tilespmem:s0+$0xB0] =	vst v0;
	(pc) =	sbr.rel @p0 .LBB2_3-.Ltmp0, $3  }
0x11a: {  	v0 =	vld [tilespmem:s25+$0xC0]  }
0x11b: {  	v1 =	vld [tilespmem:s26+$0xC0];
	_ =	sdelay $0x1  }
0x11c: {  	s0 =	sadd.s32 $0x200, s0  }
0x11d: {  	_ =	sdelay $0x1  }
0x11e: {  	v0 =	vadd.f32 v1, v0;
	_ =	sdelay $0x1  }
0x11f: {  	[tilespmem:s24+$0xC0] =	vst v0  }
0x120: {  	v0 =	vld [tilespmem:s29+$0xD0]  }
0x121: {  	v1 =	vld [tilespmem:s30+$0xD0];
	_ =	sdelay $0x4  }
0x122: {  	v0 =	vadd.f32 v1, v0;
	_ =	sdelay $0x1  }
0x123: {  	[tilespmem:s24+$0xD0] =	vst v0  }
0x124: {  	v0 =	vld [tilespmem:s29+$0xE0]  }
0x125: {  	v1 =	vld [tilespmem:s30+$0xE0];
	_ =	sdelay $0x4  }
0x126: {  	v0 =	vadd.f32 v1, v0;
	_ =	sdelay $0x1  }
0x127: {  	[tilespmem:s24+$0xE0] =	vst v0  }
0x128: {  	v0 =	vld [tilespmem:s29+$0xF0]  }
0x129: {  	v1 =	vld [tilespmem:s30+$0xF0];
	_ =	sdelay $0x4  }
0x12a: {  	s0 =	sadd.s32 s6, s28;
	v0 =	vadd.f32 v1, v0  }
0x12b: {  	s0 =	sshll.u32 s0, $0xA  }
0x12c: {  	s0 =	sadd.s32 s2, s0;
	[tilespmem:s24+$0xF0] =	vst v0  }
0x12d: {  	[hbm4b:s0+s3] =	stream.linear.scatter [tilespmem:s18], [sflag:$0x3], $0x2000, $0x38;
	[tilespmem:$0xCA00] =	vst v63  }
0x12e: {  	p0 =	seq.s32 s22, $0x4;
	_ =	swait.ge [sflag:s10], $0x2000  }
0x12f: {  	s25 =	simm.s32 @!p0 $0x80;
	s0 =	sshll.u32 @!p0 s22, $0x8;
	[sflag:s10] =	ssyncset.done $0x0  }
0x130: {  	s26 =	simm.s32 @!p0 $0xA00;
	s24 =	sadd.s32 @!p0 $0x100, s0;
	[sflag:s10] =	ssyncadd.s32 $0xFFFFE000  }
0x131: {  	[tilespmem:s26], [sflag:$0x1] =	stream.indirect.gather @!p0 [hbm4b:s4+s25], $0x40, s24, s25, $0xb8;
	[tilespmem:$0xCA00] =	vst v63  }
0x132: {  	s0 =	sadd.s32 @!p0 $0x600, s0;
	s24 =	simm.s32 @!p0 $0x2A00  }
0x133: {  	[tilespmem:s24], [sflag:$0x1] =	stream.indirect.gather @!p0 [hbm4b:s5+s25], $0x40, s0, s25, $0xb8;
	[tilespmem:$0xCA00] =	vst v63  }
0x134: {  	_ =	swait.ge [sflag:s19], $0x2000  }
0x135: {  	[sflag:s19] =	ssyncset.done $0x0  }
0x136: {  	[sflag:s19] =	ssyncadd.s32 $0xFFFFE000  }
0x137: {  	_ =	swait.ge [sflag:s19], $0x2000  }
0x138: {  	[sflag:s19] =	ssyncset.done $0x0  }
0x139: {  	s25 =	simm.s32 $0x6B00;
	[sflag:s19] =	ssyncadd.s32 $0xFFFFE000  }
0x13a: {  	s26 =	simm.s32 $0x8B00;
	v0 =	vld [tilespmem:s25+$0xFFFFFF00]  }
0x13b: {  	v1 =	vld [tilespmem:s26+$0xFFFFFF00];
	_ =	sdelay $0x4  }
0x13c: {  	v0 =	vadd.f32 v1, v0  }
0x13d: {  	s24 =	simm.s32 $0xAB00  }
0x13e: {  	[tilespmem:s24+$0xFFFFFF00] =	vst v0  }
0x13f: {  	v0 =	vld [tilespmem:s26+$0xFFFFFF10]  }
0x140: {  	v1 =	vld [tilespmem:s25+$0xFFFFFF10];
	_ =	sdelay $0x4  }
0x141: {  	v0 =	vadd.f32 v0, v1;
	_ =	sdelay $0x1  }
0x142: {  	[tilespmem:s24+$0xFFFFFF10] =	vst v0  }
0x143: {  	v0 =	vld [tilespmem:s25+$0xFFFFFF20]  }
0x144: {  	v1 =	vld [tilespmem:s26+$0xFFFFFF20];
	_ =	sdelay $0x4  }
0x145: {  	v0 =	vadd.f32 v1, v0;
	_ =	sdelay $0x1  }
0x146: {  	[tilespmem:s24+$0xFFFFFF20] =	vst v0  }
0x147: {  	v0 =	vld [tilespmem:s25+$0xFFFFFF30]  }
0x148: {  	v1 =	vld [tilespmem:s26+$0xFFFFFF30];
	_ =	sdelay $0x4  }
0x149: {  	v0 =	vadd.f32 v1, v0;
	_ =	sdelay $0x1  }
0x14a: {  	[tilespmem:s24+$0xFFFFFF30] =	vst v0  }
0x14b: {  	v0 =	vld [tilespmem:s25+$0xFFFFFF40]  }
0x14c: {  	v1 =	vld [tilespmem:s26+$0xFFFFFF40];
	_ =	sdelay $0x4  }
0x14d: {  	v0 =	vadd.f32 v1, v0;
	_ =	sdelay $0x1  }
0x14e: {  	[tilespmem:s24+$0xFFFFFF40] =	vst v0  }
0x14f: {  	v0 =	vld [tilespmem:s25+$0xFFFFFF50]  }
0x150: {  	v1 =	vld [tilespmem:s26+$0xFFFFFF50];
	_ =	sdelay $0x4  }
0x151: {  	v0 =	vadd.f32 v1, v0;
	_ =	sdelay $0x1  }
0x152: {  	[tilespmem:s24+$0xFFFFFF50] =	vst v0  }
0x153: {  	v0 =	vld [tilespmem:s25+$0xFFFFFF60]  }
0x154: {  	v1 =	vld [tilespmem:s26+$0xFFFFFF60];
	_ =	sdelay $0x4  }
0x155: {  	v0 =	vadd.f32 v1, v0;
	_ =	sdelay $0x1  }
0x156: {  	[tilespmem:s24+$0xFFFFFF60] =	vst v0  }
0x157: {  	v0 =	vld [tilespmem:s25+$0xFFFFFF70]  }
0x158: {  	v1 =	vld [tilespmem:s26+$0xFFFFFF70];
	_ =	sdelay $0x4  }
0x159: {  	v0 =	vadd.f32 v1, v0;
	_ =	sdelay $0x1  }
0x15a: {  	[tilespmem:s24+$0xFFFFFF70] =	vst v0  }
0x15b: {  	v0 =	vld [tilespmem:s25+$0xFFFFFF80]  }
0x15c: {  	v1 =	vld [tilespmem:s26+$0xFFFFFF80];
	_ =	sdelay $0x4  }
0x15d: {  	v0 =	vadd.f32 v1, v0;
	_ =	sdelay $0x1  }
0x15e: {  	[tilespmem:s24+$0xFFFFFF80] =	vst v0  }
0x15f: {  	v0 =	vld [tilespmem:s25+$0xFFFFFF90]  }
0x160: {  	v1 =	vld [tilespmem:s26+$0xFFFFFF90];
	_ =	sdelay $0x4  }
0x161: {  	v0 =	vadd.f32 v1, v0;
	_ =	sdelay $0x1  }
0x162: {  	[tilespmem:s24+$0xFFFFFF90] =	vst v0  }
0x163: {  	v0 =	vld [tilespmem:s25+$0xFFFFFFA0]  }
0x164: {  	v1 =	vld [tilespmem:s26+$0xFFFFFFA0];
	_ =	sdelay $0x4  }
0x165: {  	v0 =	vadd.f32 v1, v0;
	_ =	sdelay $0x1  }
0x166: {  	[tilespmem:s24+$0xFFFFFFA0] =	vst v0  }
0x167: {  	v0 =	vld [tilespmem:s25+$0xFFFFFFB0]  }
0x168: {  	v1 =	vld [tilespmem:s26+$0xFFFFFFB0];
	_ =	sdelay $0x4  }
0x169: {  	v0 =	vadd.f32 v1, v0;
	_ =	sdelay $0x1  }
0x16a: {  	[tilespmem:s24+$0xFFFFFFB0] =	vst v0  }
0x16b: {  	v0 =	vld [tilespmem:s25+$0xFFFFFFC0]  }
0x16c: {  	v1 =	vld [tilespmem:s26+$0xFFFFFFC0];
	_ =	sdelay $0x4  }
0x16d: {  	v0 =	vadd.f32 v1, v0;
	_ =	sdelay $0x1  }
0x16e: {  	[tilespmem:s24+$0xFFFFFFC0] =	vst v0  }
0x16f: {  	v0 =	vld [tilespmem:s25+$0xFFFFFFD0]  }
0x170: {  	v1 =	vld [tilespmem:s26+$0xFFFFFFD0];
	_ =	sdelay $0x4  }
0x171: {  	v0 =	vadd.f32 v1, v0;
	_ =	sdelay $0x1  }
0x172: {  	[tilespmem:s24+$0xFFFFFFD0] =	vst v0  }
0x173: {  	v0 =	vld [tilespmem:s25+$0xFFFFFFE0]  }
0x174: {  	v1 =	vld [tilespmem:s26+$0xFFFFFFE0];
	_ =	sdelay $0x4  }
0x175: {  	v0 =	vadd.f32 v1, v0;
	_ =	sdelay $0x1  }
0x176: {  	[tilespmem:s24+$0xFFFFFFE0] =	vst v0  }
0x177: {  	v0 =	vld [tilespmem:s25+$0xFFFFFFF0]  }
0x178: {  	v1 =	vld [tilespmem:s26+$0xFFFFFFF0];
	_ =	sdelay $0x4  }
0x179: {  	v0 =	vadd.f32 v1, v0;
	_ =	sdelay $0x1  }
0x17a: {  	[tilespmem:s24+$0xFFFFFFF0] =	vst v0  }
0x17b: {  	v0 =	vld [tilespmem:s25+$0x0]  }
0x17c: {  	v1 =	vld [tilespmem:s26+$0x0];
	_ =	sdelay $0x4  }
0x17d: {  	v0 =	vadd.f32 v1, v0;
	_ =	sdelay $0x1  }
0x17e: {  	[tilespmem:s24+$0x0] =	vst v0  }
0x17f: {  	v0 =	vld [tilespmem:s25+$0x10]  }
0x180: {  	v1 =	vld [tilespmem:s26+$0x10];
	_ =	sdelay $0x4  }
0x181: {  	v0 =	vadd.f32 v1, v0;
	_ =	sdelay $0x1  }
0x182: {  	[tilespmem:s24+$0x10] =	vst v0  }
0x183: {  	v0 =	vld [tilespmem:s25+$0x20]  }
0x184: {  	v1 =	vld [tilespmem:s26+$0x20];
	_ =	sdelay $0x4  }
0x185: {  	v0 =	vadd.f32 v1, v0;
	_ =	sdelay $0x1  }
0x186: {  	[tilespmem:s24+$0x20] =	vst v0  }
0x187: {  	v0 =	vld [tilespmem:s25+$0x30]  }
0x188: {  	v1 =	vld [tilespmem:s26+$0x30];
	_ =	sdelay $0x4  }
0x189: {  	v0 =	vadd.f32 v1, v0;
	_ =	sdelay $0x1  }
0x18a: {  	[tilespmem:s24+$0x30] =	vst v0  }
0x18b: {  	v0 =	vld [tilespmem:s25+$0x40]  }
0x18c: {  	v1 =	vld [tilespmem:s26+$0x40];
	_ =	sdelay $0x4  }
0x18d: {  	v0 =	vadd.f32 v1, v0;
	_ =	sdelay $0x1  }
0x18e: {  	[tilespmem:s24+$0x40] =	vst v0  }
0x18f: {  	v0 =	vld [tilespmem:s25+$0x50]  }
0x190: {  	v1 =	vld [tilespmem:s26+$0x50];
	_ =	sdelay $0x4  }
0x191: {  	v0 =	vadd.f32 v1, v0;
	_ =	sdelay $0x1  }
0x192: {  	[tilespmem:s24+$0x50] =	vst v0  }
0x193: {  	v0 =	vld [tilespmem:s25+$0x60]  }
0x194: {  	v1 =	vld [tilespmem:s26+$0x60];
	_ =	sdelay $0x4  }
0x195: {  	v0 =	vadd.f32 v1, v0;
	_ =	sdelay $0x1  }
0x196: {  	[tilespmem:s24+$0x60] =	vst v0  }
0x197: {  	v0 =	vld [tilespmem:s25+$0x70]  }
0x198: {  	v1 =	vld [tilespmem:s26+$0x70];
	_ =	sdelay $0x4  }
0x199: {  	v0 =	vadd.f32 v1, v0;
	_ =	sdelay $0x1  }
0x19a: {  	[tilespmem:s24+$0x70] =	vst v0  }
0x19b: {  	v0 =	vld [tilespmem:s25+$0x80]  }
0x19c: {  	v1 =	vld [tilespmem:s26+$0x80];
	_ =	sdelay $0x4  }
0x19d: {  	v0 =	vadd.f32 v1, v0;
	_ =	sdelay $0x1  }
0x19e: {  	[tilespmem:s24+$0x80] =	vst v0  }
0x19f: {  	v0 =	vld [tilespmem:s25+$0x90]  }
0x1a0: {  	v1 =	vld [tilespmem:s26+$0x90];
	_ =	sdelay $0x4  }
0x1a1: {  	v0 =	vadd.f32 v1, v0;
	_ =	sdelay $0x1  }
0x1a2: {  	[tilespmem:s24+$0x90] =	vst v0  }
0x1a3: {  	v0 =	vld [tilespmem:s25+$0xA0]  }
0x1a4: {  	v1 =	vld [tilespmem:s26+$0xA0];
	_ =	sdelay $0x4  }
0x1a5: {  	v0 =	vadd.f32 v1, v0;
	_ =	sdelay $0x1  }
0x1a6: {  	[tilespmem:s24+$0xA0] =	vst v0  }
0x1a7: {  	v0 =	vld [tilespmem:s25+$0xB0]  }
0x1a8: {  	v1 =	vld [tilespmem:s26+$0xB0];
	_ =	sdelay $0x4  }
0x1a9: {  	v0 =	vadd.f32 v1, v0;
	_ =	sdelay $0x1  }
0x1aa: {  	[tilespmem:s24+$0xB0] =	vst v0  }
0x1ab: {  	v0 =	vld [tilespmem:s25+$0xC0]  }
0x1ac: {  	v1 =	vld [tilespmem:s26+$0xC0]  }
0x1ad: {  	s28 =	simm.s32 $0x6B00  }
0x1ae: {  	s30 =	simm.s32 $0x0;
	s29 =	simm.s32 $0x8B00;
	s0 =	simm.s32 $0xAD00  }
.LBB2_5:
0x1af: {  	s30 =	sadd.s32 $0x4, s30;
	s25 =	sadd.s32 $0x200, s25;
	s26 =	sadd.s32 $0x200, s26  }
0x1b0: {  	p0 =	slt.u32 s30, $0x3C  }
0x1b1: {  	v0 =	vadd.f32 v1, v0;
	_ =	sdelay $0x1  }
0x1b2: {  	[tilespmem:s24+$0xC0] =	vst v0  }
0x1b3: {  	v0 =	vld [tilespmem:s28+$0xD0]  }
0x1b4: {  	v1 =	vld [tilespmem:s29+$0xD0];
	_ =	sdelay $0x4  }
0x1b5: {  	v0 =	vadd.f32 v1, v0;
	_ =	sdelay $0x1  }
0x1b6: {  	[tilespmem:s24+$0xD0] =	vst v0  }
0x1b7: {  	v0 =	vld [tilespmem:s28+$0xE0]  }
0x1b8: {  	v1 =	vld [tilespmem:s29+$0xE0];
	_ =	sdelay $0x4  }
0x1b9: {  	v0 =	vadd.f32 v1, v0;
	_ =	sdelay $0x1  }
0x1ba: {  	[tilespmem:s24+$0xE0] =	vst v0  }
0x1bb: {  	v0 =	vld [tilespmem:s28+$0xF0];
	s28 =	smov.u32 s25  }
0x1bc: {  	v1 =	vld [tilespmem:s29+$0xF0];
	s29 =	smov.u32 s26;
	_ =	sdelay $0x4  }
0x1bd: {  	v0 =	vadd.f32 v1, v0;
	_ =	sdelay $0x1  }
0x1be: {  	[tilespmem:s24+$0xF0] =	vst v0;
	s24 =	smov.u32 s0  }
0x1bf: {  	v0 =	vld [tilespmem:s25+$0xFFFFFF00]  }
0x1c0: {  	v1 =	vld [tilespmem:s26+$0xFFFFFF00];
	_ =	sdelay $0x4  }
0x1c1: {  	v0 =	vadd.f32 v1, v0;
	_ =	sdelay $0x1  }
0x1c2: {  	[tilespmem:s0+$0xFFFFFF00] =	vst v0  }
0x1c3: {  	v0 =	vld [tilespmem:s26+$0xFFFFFF10]  }
0x1c4: {  	v1 =	vld [tilespmem:s25+$0xFFFFFF10];
	_ =	sdelay $0x4  }
0x1c5: {  	v0 =	vadd.f32 v0, v1;
	_ =	sdelay $0x1  }
0x1c6: {  	[tilespmem:s0+$0xFFFFFF10] =	vst v0  }
0x1c7: {  	v0 =	vld [tilespmem:s25+$0xFFFFFF20]  }
0x1c8: {  	v1 =	vld [tilespmem:s26+$0xFFFFFF20];
	_ =	sdelay $0x4  }
0x1c9: {  	v0 =	vadd.f32 v1, v0;
	_ =	sdelay $0x1  }
0x1ca: {  	[tilespmem:s0+$0xFFFFFF20] =	vst v0  }
0x1cb: {  	v0 =	vld [tilespmem:s25+$0xFFFFFF30]  }
0x1cc: {  	v1 =	vld [tilespmem:s26+$0xFFFFFF30];
	_ =	sdelay $0x4  }
0x1cd: {  	v0 =	vadd.f32 v1, v0;
	_ =	sdelay $0x1  }
0x1ce: {  	[tilespmem:s0+$0xFFFFFF30] =	vst v0  }
0x1cf: {  	v0 =	vld [tilespmem:s25+$0xFFFFFF40]  }
0x1d0: {  	v1 =	vld [tilespmem:s26+$0xFFFFFF40];
	_ =	sdelay $0x4  }
0x1d1: {  	v0 =	vadd.f32 v1, v0;
	_ =	sdelay $0x1  }
0x1d2: {  	[tilespmem:s0+$0xFFFFFF40] =	vst v0  }
0x1d3: {  	v0 =	vld [tilespmem:s25+$0xFFFFFF50]  }
0x1d4: {  	v1 =	vld [tilespmem:s26+$0xFFFFFF50];
	_ =	sdelay $0x4  }
0x1d5: {  	v0 =	vadd.f32 v1, v0;
	_ =	sdelay $0x1  }
0x1d6: {  	[tilespmem:s0+$0xFFFFFF50] =	vst v0  }
0x1d7: {  	v0 =	vld [tilespmem:s25+$0xFFFFFF60]  }
0x1d8: {  	v1 =	vld [tilespmem:s26+$0xFFFFFF60];
	_ =	sdelay $0x4  }
0x1d9: {  	v0 =	vadd.f32 v1, v0;
	_ =	sdelay $0x1  }
0x1da: {  	[tilespmem:s0+$0xFFFFFF60] =	vst v0  }
0x1db: {  	v0 =	vld [tilespmem:s25+$0xFFFFFF70]  }
0x1dc: {  	v1 =	vld [tilespmem:s26+$0xFFFFFF70];
	_ =	sdelay $0x4  }
0x1dd: {  	v0 =	vadd.f32 v1, v0;
	_ =	sdelay $0x1  }
0x1de: {  	[tilespmem:s0+$0xFFFFFF70] =	vst v0  }
0x1df: {  	v0 =	vld [tilespmem:s25+$0xFFFFFF80]  }
0x1e0: {  	v1 =	vld [tilespmem:s26+$0xFFFFFF80];
	_ =	sdelay $0x4  }
0x1e1: {  	v0 =	vadd.f32 v1, v0;
	_ =	sdelay $0x1  }
0x1e2: {  	[tilespmem:s0+$0xFFFFFF80] =	vst v0  }
0x1e3: {  	v0 =	vld [tilespmem:s25+$0xFFFFFF90]  }
0x1e4: {  	v1 =	vld [tilespmem:s26+$0xFFFFFF90];
	_ =	sdelay $0x4  }
0x1e5: {  	v0 =	vadd.f32 v1, v0;
	_ =	sdelay $0x1  }
0x1e6: {  	[tilespmem:s0+$0xFFFFFF90] =	vst v0  }
0x1e7: {  	v0 =	vld [tilespmem:s25+$0xFFFFFFA0]  }
0x1e8: {  	v1 =	vld [tilespmem:s26+$0xFFFFFFA0];
	_ =	sdelay $0x4  }
0x1e9: {  	v0 =	vadd.f32 v1, v0;
	_ =	sdelay $0x1  }
0x1ea: {  	[tilespmem:s0+$0xFFFFFFA0] =	vst v0  }
0x1eb: {  	v0 =	vld [tilespmem:s25+$0xFFFFFFB0]  }
0x1ec: {  	v1 =	vld [tilespmem:s26+$0xFFFFFFB0];
	_ =	sdelay $0x4  }
0x1ed: {  	v0 =	vadd.f32 v1, v0;
	_ =	sdelay $0x1  }
0x1ee: {  	[tilespmem:s0+$0xFFFFFFB0] =	vst v0  }
0x1ef: {  	v0 =	vld [tilespmem:s25+$0xFFFFFFC0]  }
0x1f0: {  	v1 =	vld [tilespmem:s26+$0xFFFFFFC0];
	_ =	sdelay $0x4  }
0x1f1: {  	v0 =	vadd.f32 v1, v0;
	_ =	sdelay $0x1  }
0x1f2: {  	[tilespmem:s0+$0xFFFFFFC0] =	vst v0  }
0x1f3: {  	v0 =	vld [tilespmem:s25+$0xFFFFFFD0]  }
0x1f4: {  	v1 =	vld [tilespmem:s26+$0xFFFFFFD0];
	_ =	sdelay $0x4  }
0x1f5: {  	v0 =	vadd.f32 v1, v0;
	_ =	sdelay $0x1  }
0x1f6: {  	[tilespmem:s0+$0xFFFFFFD0] =	vst v0  }
0x1f7: {  	v0 =	vld [tilespmem:s25+$0xFFFFFFE0]  }
0x1f8: {  	v1 =	vld [tilespmem:s26+$0xFFFFFFE0];
	_ =	sdelay $0x4  }
0x1f9: {  	v0 =	vadd.f32 v1, v0;
	_ =	sdelay $0x1  }
0x1fa: {  	[tilespmem:s0+$0xFFFFFFE0] =	vst v0  }
0x1fb: {  	v0 =	vld [tilespmem:s25+$0xFFFFFFF0]  }
0x1fc: {  	v1 =	vld [tilespmem:s26+$0xFFFFFFF0];
	_ =	sdelay $0x4  }
0x1fd: {  	v0 =	vadd.f32 v1, v0;
	_ =	sdelay $0x1  }
0x1fe: {  	[tilespmem:s0+$0xFFFFFFF0] =	vst v0  }
0x1ff: {  	v0 =	vld [tilespmem:s25+$0x0]  }
0x200: {  	v1 =	vld [tilespmem:s26+$0x0];
	_ =	sdelay $0x4  }
0x201: {  	v0 =	vadd.f32 v1, v0;
	_ =	sdelay $0x1  }
0x202: {  	[tilespmem:s0+$0x0] =	vst v0  }
0x203: {  	v0 =	vld [tilespmem:s25+$0x10]  }
0x204: {  	v1 =	vld [tilespmem:s26+$0x10];
	_ =	sdelay $0x4  }
0x205: {  	v0 =	vadd.f32 v1, v0;
	_ =	sdelay $0x1  }
0x206: {  	[tilespmem:s0+$0x10] =	vst v0  }
0x207: {  	v0 =	vld [tilespmem:s25+$0x20]  }
0x208: {  	v1 =	vld [tilespmem:s26+$0x20];
	_ =	sdelay $0x4  }
0x209: {  	v0 =	vadd.f32 v1, v0;
	_ =	sdelay $0x1  }
0x20a: {  	[tilespmem:s0+$0x20] =	vst v0  }
0x20b: {  	v0 =	vld [tilespmem:s25+$0x30]  }
0x20c: {  	v1 =	vld [tilespmem:s26+$0x30];
	_ =	sdelay $0x4  }
0x20d: {  	v0 =	vadd.f32 v1, v0;
	_ =	sdelay $0x1  }
0x20e: {  	[tilespmem:s0+$0x30] =	vst v0  }
0x20f: {  	v0 =	vld [tilespmem:s25+$0x40]  }
0x210: {  	v1 =	vld [tilespmem:s26+$0x40];
	_ =	sdelay $0x4  }
0x211: {  	v0 =	vadd.f32 v1, v0;
	_ =	sdelay $0x1  }
0x212: {  	[tilespmem:s0+$0x40] =	vst v0  }
0x213: {  	v0 =	vld [tilespmem:s25+$0x50]  }
0x214: {  	v1 =	vld [tilespmem:s26+$0x50];
	_ =	sdelay $0x4  }
0x215: {  	v0 =	vadd.f32 v1, v0;
	_ =	sdelay $0x1  }
0x216: {  	[tilespmem:s0+$0x50] =	vst v0  }
0x217: {  	v0 =	vld [tilespmem:s25+$0x60]  }
0x218: {  	v1 =	vld [tilespmem:s26+$0x60];
	_ =	sdelay $0x4  }
0x219: {  	v0 =	vadd.f32 v1, v0;
	_ =	sdelay $0x1  }
0x21a: {  	[tilespmem:s0+$0x60] =	vst v0  }
0x21b: {  	v0 =	vld [tilespmem:s25+$0x70]  }
0x21c: {  	v1 =	vld [tilespmem:s26+$0x70];
	_ =	sdelay $0x4  }
0x21d: {  	v0 =	vadd.f32 v1, v0;
	_ =	sdelay $0x1  }
0x21e: {  	[tilespmem:s0+$0x70] =	vst v0  }
0x21f: {  	v0 =	vld [tilespmem:s25+$0x80]  }
0x220: {  	v1 =	vld [tilespmem:s26+$0x80];
	_ =	sdelay $0x4  }
0x221: {  	v0 =	vadd.f32 v1, v0;
	_ =	sdelay $0x1  }
0x222: {  	[tilespmem:s0+$0x80] =	vst v0  }
0x223: {  	v0 =	vld [tilespmem:s25+$0x90]  }
0x224: {  	v1 =	vld [tilespmem:s26+$0x90];
	_ =	sdelay $0x4  }
0x225: {  	v0 =	vadd.f32 v1, v0;
	_ =	sdelay $0x1  }
0x226: {  	[tilespmem:s0+$0x90] =	vst v0  }
0x227: {  	v0 =	vld [tilespmem:s25+$0xA0]  }
0x228: {  	v1 =	vld [tilespmem:s26+$0xA0];
	_ =	sdelay $0x4  }
0x229: {  	v0 =	vadd.f32 v1, v0;
	_ =	sdelay $0x1  }
0x22a: {  	[tilespmem:s0+$0xA0] =	vst v0  }
0x22b: {  	v0 =	vld [tilespmem:s25+$0xB0]  }
0x22c: {  	v1 =	vld [tilespmem:s26+$0xB0];
	_ =	sdelay $0x4  }
0x22d: {  	v0 =	vadd.f32 v1, v0;
	_ =	sdelay $0x1  }
.Ltmp1:
0x22e: {  	[tilespmem:s0+$0xB0] =	vst v0;
	(pc) =	sbr.rel @p0 .LBB2_5-.Ltmp1, $3  }
0x22f: {  	v0 =	vld [tilespmem:s25+$0xC0]  }
0x230: {  	v1 =	vld [tilespmem:s26+$0xC0];
	_ =	sdelay $0x1  }
0x231: {  	s0 =	sadd.s32 $0x200, s0  }
0x232: {  	_ =	sdelay $0x1  }
0x233: {  	v0 =	vadd.f32 v1, v0;
	_ =	sdelay $0x1  }
0x234: {  	[tilespmem:s24+$0xC0] =	vst v0  }
0x235: {  	v0 =	vld [tilespmem:s28+$0xD0]  }
0x236: {  	v61 =	vld [tilespmem:s29+$0xD0];
	_ =	sdelay $0x4  }
0x237: {  	v0 =	vadd.f32 v61, v0;
	_ =	sdelay $0x1  }
0x238: {  	[tilespmem:s24+$0xD0] =	vst v0  }
0x239: {  	v0 =	vld [tilespmem:s28+$0xE0]  }
0x23a: {  	v62 =	vld [tilespmem:s29+$0xE0];
	_ =	sdelay $0x4  }
0x23b: {  	v0 =	vadd.f32 v62, v0;
	_ =	sdelay $0x1  }
0x23c: {  	[tilespmem:s24+$0xE0] =	vst v0  }
0x23d: {  	v0 =	vld [tilespmem:s28+$0xF0]  }
0x23e: {  	v63 =	vld [tilespmem:s29+$0xF0];
	_ =	sdelay $0x3  }
0x23f: {  	s0 =	sadd.s32 s6, s23  }
0x240: {  	s22 =	sadd.s32 $0x1, s22;
	s0 =	sshll.u32 s0, $0xA;
	v0 =	vadd.f32 v63, v0  }
0x241: {  	p0 =	sne.s32 s22, $0x5;
	s0 =	sand.u32 $0x1FFFFC00, s0  }
.Ltmp2:
0x242: {  	s0 =	sadd.s32 s2, s0;
	[tilespmem:s24+$0xF0] =	vst v0;
	(pc) =	sbr.rel @p0 .LBB2_2-.Ltmp2, $4  }
0x243: {  	[hbm4b:s0+s3] =	stream.linear.scatter [tilespmem:s20], [sflag:$0x3], $0x2000, $0x38;
	[tilespmem:$0xCA00] =	vst v63  }
0x244: {  	_ =	swait.ge [sflag:s10], $0x2000  }
0x245: {  	[sflag:s10] =	ssyncset.done $0x0  }
0x246: {  	[sflag:s10] =	ssyncadd.s32 $0xFFFFE000  }
0x247: {  	s21 =	sadd.s32 $0x1, s21  }
0x248: {  	p0 =	sne.s32 s21, s9  }
.Ltmp3:
0x249: {  	_ = 	snop;
	(pc) =	sbr.rel @p0 .LBB2_1-.Ltmp3, $1  }
0x24a: {  	_ =	sdelay $0x3  }
0x24b: {  	_ =	sfence.sel $0x180000  }
0x24c: {  	[bflag:$0x0] =	sbarrier.arrive $0xFFFF  }
0x24d: {  	_ =	strace $0x90000047  }
0x24e: {  	[bflag:$0x2] =	sbarrier.arrive $0xFFFF  }
0x24f: {  	p0 =	sne.s32 s1, $0x0;
	s0 =	rddreg [dreg:$0x4]  }
0x250: {  	s0 =	sadd.s32 @!p0 $0x100000, s0  }
0x251: {  	[sflag:s0] =	ssyncadd.tile.s32 @!p0 $0x1;
	_ =	shalt  }
.Lfunc_end2:
_tile_overlayer_lowered:
.L_overlay_start_2:
0x252: {  	(tag) =	ssettag $0x2  }
0x253: {  	s0 =	rddreg [dreg:$0x0];
	s2 =	stileid.u32  }
0x254: {  	s1 =	rddreg [dreg:$0x1];
	p0 =	sne.s32 s2, $0x0  }
0x255: {  	s3 =	rddreg [dreg:$0x2];
	[bflag:$0x3] =	sbarrier.arrive $0xFFFF;
	s2 =	simm.s32 @!p0 $0x1C03  }
0x256: {  	[timem:s3], [sflag:s2] =	dma.local @!p0 [hbm:s0], s1  }
0x257: {  	s0 =	simm.s32 @!p0 $0x3  }
0x258: {  	_ =	swait.ge @!p0 [sflag:s0], s1  }
0x259: {  	s1 =	ssub.s32 @!p0 $0x0, s1;
	[sflag:s0] =	ssyncset.done @!p0 $0x0  }
0x25a: {  	[sflag:s0] =	ssyncadd.s32 @!p0 s1  }
0x25b: {  	[bflag:$0x3] =	sbarrier.arrive $0xFFFF  }
0x25c: {  	_ =	shalt  }

</sc_bundles>
